<compile_context>
chip_gen: v7x
topology: tpu7x:2x2x1
jax: 0.10.2.dev20260603
libtpu: 0.0.44.dev20260713+nightly
codegen_flags: <defaults>
</compile_context>

<pallas_src>
import functools

import jax
import jax.numpy as jnp
from jax import lax
from jax.experimental import pallas as pl
from jax.experimental.pallas import tpu as pltpu
from jax.experimental.pallas import tpu_sc as plsc

NC = 2
NS = 16
NW = NC * NS
L = 16
CH = 125


def _wid():
    return lax.axis_index("s") * NC + lax.axis_index("c")


def _zero_vmem(ref, rows, cols):
    z = jnp.zeros((L,), jnp.float32)

    def body(i, _):
        for k in range(cols // L):
            ref[i, pl.ds(k * L, L)] = z
        return 0

    lax.fori_loop(0, rows, body, 0)


def _deg_kernel_body(npad, nchunk, edge_hbm, deg_out, colv, zbuf, deg_sh):
    cid = lax.axis_index("c")
    sid = lax.axis_index("s")
    wid = _wid()
    rows_per = npad // NS

    pltpu.sync_copy(edge_hbm.at[1, pl.ds(wid * nchunk, nchunk)], colv)

    _zero_vmem(zbuf, CH, L)
    for j in range(rows_per // CH):
        pltpu.sync_copy(zbuf, deg_sh.at[pl.ds(sid * rows_per + j * CH, CH)])
    plsc.subcore_barrier()

    ubuf = zbuf
    one_hot = jnp.where(lax.iota(jnp.int32, L) == 0, 1.0, 0.0).astype(jnp.float32)

    def set_row(i, _):
        ubuf[i, pl.ds(0, L)] = one_hot
        return 0

    lax.fori_loop(0, CH, set_row, 0)

    def edge_chunk(j, _):
        pltpu.sync_copy(ubuf, deg_sh.at[colv.at[j]], add=True)
        return 0

    lax.fori_loop(0, nchunk, edge_chunk, 0)
    plsc.subcore_barrier()

    pltpu.sync_copy(
        deg_sh.at[pl.ds(sid * rows_per, rows_per), pl.ds(0, 8)],
        deg_out.at[cid, pl.ds(sid * rows_per, rows_per)],
    )


def _scatter_kernel_body(npad, nchunk, fout,
                         edge_hbm, hs_hbm, acc_out,
                         rowv, colv, gbuf, acc_sh, hs_sh, gsems, ssems):
    cid = lax.axis_index("c")
    sid = lax.axis_index("s")
    wid = _wid()
    rows_per = npad // NS

    pltpu.sync_copy(hs_hbm.at[pl.ds(sid * rows_per, rows_per)],
                    hs_sh.at[pl.ds(sid * rows_per, rows_per)])
    pltpu.sync_copy(edge_hbm.at[0, pl.ds(wid * nchunk, nchunk)], rowv)
    pltpu.sync_copy(edge_hbm.at[1, pl.ds(wid * nchunk, nchunk)], colv)

    _zero_vmem(gbuf.at[0], CH, fout)
    for j in range(rows_per // CH):
        pltpu.sync_copy(gbuf.at[0], acc_sh.at[pl.ds(sid * rows_per + j * CH, CH)])
    plsc.subcore_barrier()

    nbuf = 3

    def gcopy(j, b):
        return pltpu.make_async_copy(hs_sh.at[rowv.at[j]], gbuf.at[b], gsems[b])

    def swait(j, b):
        pltpu.make_async_copy(gbuf.at[b], acc_sh.at[colv.at[j]], ssems[b]).wait()

    def sstart(j, b):
        pltpu.async_copy(gbuf.at[b], acc_sh.at[colv.at[j]], ssems[b], add=True)

    def step(g, _):
        for b in range(nbuf):
            j = nbuf * g + b

            @pl.when(jnp.logical_and(j >= nbuf, j - nbuf < nchunk))
            def _():
                swait(j - nbuf, b)

            @pl.when(j < nchunk)
            def _():
                gcopy(j, b).start()

            bc = (b + 2) % nbuf

            @pl.when(jnp.logical_and(j >= 1, j - 1 < nchunk))
            def _():
                gcopy(j - 1, bc).wait()
                sstart(j - 1, bc)
        return 0

    lax.fori_loop(0, (nchunk + 5) // nbuf, step, 0)
    plsc.subcore_barrier()

    pltpu.sync_copy(
        acc_sh.at[pl.ds(sid * rows_per, rows_per)],
        acc_out.at[cid, pl.ds(sid * rows_per, rows_per)],
    )


def _mm_tc_body(x_ref, w_ref, h_ref):
    h_ref[...] = jnp.dot(x_ref[...], w_ref[...],
                         preferred_element_type=jnp.float32)


def _scale_tc_body(h_ref, degp_ref, hs_ref):
    deg = degp_ref[0, :, 0] + degp_ref[1, :, 0] + 1.0
    dis = lax.rsqrt(deg)
    hs_ref[...] = h_ref[...] * dis[:, None]


def _final_tc_body(acc_ref, hs_ref, degp_ref, b_ref, out_ref):
    deg = degp_ref[0, :, 0] + degp_ref[1, :, 0] + 1.0
    dis = lax.rsqrt(deg)
    s = acc_ref[0] + acc_ref[1] + hs_ref[...]
    out_ref[...] = dis[:, None] * s + b_ref[...]


def kernel(x, edge_index, W, b):
    n, f_in = x.shape
    f_out = W.shape[1]
    e = edge_index.shape[1]

    tot = ((e + NW * CH - 1) // (NW * CH)) * NW
    pad = tot * CH - e
    nchunk = tot // NW
    rows_per = ((n + NS * CH - 1) // (NS * CH)) * CH
    npad = NS * rows_per
    if pad > 0 and npad == n:
        npad += NS * CH
        rows_per += CH

    if pad == 0:
        e3 = jnp.reshape(edge_index, (2, tot, CH))
    else:
        filler = jnp.stack([jnp.zeros((pad,), jnp.int32),
                            jnp.full((pad,), npad - 1, jnp.int32)])
        e3 = jnp.concatenate([edge_index, filler], axis=1).reshape(2, tot, CH)
    x_pad = jnp.pad(x, ((0, npad - n), (0, 0)))

    mesh = plsc.VectorSubcoreMesh(core_axis_name="c", subcore_axis_name="s")
    sc_params = pltpu.CompilerParams(use_tc_tiling_on_sc=False)

    deg_parts = pl.kernel(
        functools.partial(_deg_kernel_body, npad, nchunk),
        out_type=jax.ShapeDtypeStruct((NC, npad, 8), jnp.float32),
        mesh=mesh,
        compiler_params=sc_params,
        scratch_types=[
            pltpu.VMEM((nchunk, CH), jnp.int32),
            pltpu.VMEM((CH, L), jnp.float32),
            pltpu.VMEM_SHARED((npad, L), jnp.float32),
        ],
    )(e3)

    grid = 10
    blk = npad // grid
    h = pl.pallas_call(
        _mm_tc_body,
        grid=(grid,),
        in_specs=[
            pl.BlockSpec((blk, f_in), lambda i: (i, 0)),
            pl.BlockSpec((f_in, f_out), lambda i: (0, 0)),
        ],
        out_specs=pl.BlockSpec((blk, f_out), lambda i: (i, 0)),
        out_shape=jax.ShapeDtypeStruct((npad, f_out), jnp.float32),
    )(x_pad, W)
    hs = pl.pallas_call(
        _scale_tc_body,
        grid=(grid,),
        in_specs=[
            pl.BlockSpec((blk, f_out), lambda i: (i, 0)),
            pl.BlockSpec((NC, blk, 8), lambda i: (0, i, 0)),
        ],
        out_specs=pl.BlockSpec((blk, f_out), lambda i: (i, 0)),
        out_shape=jax.ShapeDtypeStruct((npad, f_out), jnp.float32),
    )(h, deg_parts)

    acc_parts = pl.kernel(
        functools.partial(_scatter_kernel_body, npad, nchunk, f_out),
        out_type=jax.ShapeDtypeStruct((NC, npad, f_out), jnp.float32),
        mesh=mesh,
        compiler_params=sc_params,
        scratch_types=[
            pltpu.VMEM((nchunk, CH), jnp.int32),
            pltpu.VMEM((nchunk, CH), jnp.int32),
            pltpu.VMEM((3, CH, f_out), jnp.float32),
            pltpu.VMEM_SHARED((npad, f_out), jnp.float32),
            pltpu.VMEM_SHARED((npad, f_out), jnp.float32),
            (pltpu.SemaphoreType.DMA,) * 3,
            (pltpu.SemaphoreType.DMA,) * 3,
        ],
    )(e3, hs)

    out_pad = pl.pallas_call(
        _final_tc_body,
        grid=(grid,),
        in_specs=[
            pl.BlockSpec((NC, blk, f_out), lambda i: (0, i, 0)),
            pl.BlockSpec((blk, f_out), lambda i: (i, 0)),
            pl.BlockSpec((NC, blk, 8), lambda i: (0, i, 0)),
            pl.BlockSpec((1, f_out), lambda i: (0, 0)),
        ],
        out_specs=pl.BlockSpec((blk, f_out), lambda i: (i, 0)),
        out_shape=jax.ShapeDtypeStruct((npad, f_out), jnp.float32),
    )(acc_parts, hs, deg_parts, b.reshape(1, f_out))

    return out_pad[:n]

# --- scband reference (transcript-rebuilt; emitter-appended) ---
"""Pipeline reference for scband-gcn-net0-43052752175664 (READ-ONLY COPY).

The authoritative reference and input builder live on the scoring server;
editing this copy changes nothing except your own understanding.
"""

import jax, jax.numpy as jnp
import numpy as np

N = 10000
E = 320000
F_IN = 128
F_OUT = 64


def setup_inputs(seed: int = 0) -> dict:
    key = jax.random.key(seed)
    k1, k2, k3, k4 = jax.random.split(key, 4)
    x = jax.random.normal(k1, (N, F_IN), dtype=jnp.float32)
    edge_index = jax.random.randint(k2, (2, E), 0, N, dtype=jnp.int32)
    # GCNConv learned parameters (glorot-style init for weight, zeros for bias)
    W = jax.random.normal(k3, (F_IN, F_OUT), dtype=jnp.float32) * (1.0 / np.sqrt(F_IN))
    b = jnp.zeros((F_OUT,), dtype=jnp.float32)
    return {"x": x, "edge_index": edge_index, "W": W, "b": b}


def reference(x, edge_index, W, b):
    # Faithful PyG GCNConv: add self-loops, symmetric deg^{-1/2} normalization,
    # linear transform, sum aggregation over incoming edges, bias.
    row = edge_index[0]
    col = edge_index[1]
    loop = jnp.arange(N, dtype=edge_index.dtype)
    row = jnp.concatenate([row, loop])
    col = jnp.concatenate([col, loop])
    edge_weight = jnp.ones(row.shape[0], dtype=x.dtype)
    deg = jnp.zeros((N,), dtype=x.dtype).at[col].add(edge_weight)
    deg_inv_sqrt = jnp.where(deg > 0, jax.lax.rsqrt(jnp.maximum(deg, 1e-12)), 0.0)
    norm = deg_inv_sqrt[row] * edge_weight * deg_inv_sqrt[col]
    h = x @ W
    msg = h[row] * norm[:, None]
    out = jnp.zeros((N, F_OUT), dtype=x.dtype).at[col].add(msg)
    out = out + b
    return out

if __name__ == "__main__":
    import jax
    _d = setup_inputs()
    print(jax.jit(kernel)(*tuple(_d.values())))

</pallas_src>

<mosaic_0001>
#map = affine_map<(d0, d1) -> (0, 0, 0)>
module attributes {stable_mosaic.version = 14 : i64} {
  func.func @_deg_kernel_body(%arg0: i32, %arg1: i32, %arg2: memref<2x2560x125xi32, #tpu.memory_space<hbm>>, %arg3: memref<2x10000x8xf32, #tpu.memory_space<hbm>>, %arg4: memref<80x125xi32, #tpu.memory_space<vmem>>, %arg5: memref<125x16xf32, #tpu.memory_space<vmem>>, %arg6: memref<10000x16xf32, #tpu.memory_space<vmem_shared>>) attributes {dimension_semantics = [#tpu.dimension_semantics<core_parallel>, #tpu.dimension_semantics<subcore_parallel>], iteration_bounds = array<i64: 2, 16>, scalar_prefetch = 0 : i64, scratch_operands = 3 : i64, tpu.core_type = #tpu.core_type<sc_vector_subcore>, window_params = [{transform_indices = #map}, {transform_indices = #map}]} {
    %mul3A = arith.constant 2 : i32
    %mul3A_0 = arith.muli %arg1, %mul3A : i32
    %add3A = arith.addi %mul3A_0, %arg0 : i32
    %mul3A_1 = arith.constant 80 : i32
    %mul3A_2 = arith.muli %add3A, %mul3A_1 : i32
    %run_scoped3A = arith.constant 1 : i32
    "tpu.region"() ({
      %run_scoped3A_54 = tpu.sem_alloc : memref<!tpu.dma_semaphore, #tpu.memory_space<semaphore_mem>>
      %dma_start3A = arith.constant 0 : i32
      %dma_start3A_55 = tpu.memref_slice %arg2[%run_scoped3A, %mul3A_2, %dma_start3A] : memref<2x2560x125xi32, #tpu.memory_space<hbm>> -> memref<1x80x125xi32, #tpu.memory_space<hbm>>
      %dma_start3A_56 = tpu.memref_squeeze %dma_start3A_55 : memref<1x80x125xi32, #tpu.memory_space<hbm>> -> memref<80x125xi32, #tpu.memory_space<hbm>>
      %dma_start3A_57 = arith.constant 0 : i32
      %dma_start3A_58 = tpu.memref_slice %arg2[%run_scoped3A, %mul3A_2, %dma_start3A_57] : memref<2x2560x125xi32, #tpu.memory_space<hbm>> -> memref<1x80x125xi32, #tpu.memory_space<hbm>>
      %dma_start3A_59 = tpu.memref_squeeze %dma_start3A_58 : memref<1x80x125xi32, #tpu.memory_space<hbm>> -> memref<80x125xi32, #tpu.memory_space<hbm>>
      tpu.enqueue_dma source(%dma_start3A_59 : memref<80x125xi32, #tpu.memory_space<hbm>>) target(%arg4 : memref<80x125xi32, #tpu.memory_space<vmem>>) target_semaphore(%run_scoped3A_54 : memref<!tpu.dma_semaphore, #tpu.memory_space<semaphore_mem>>)
      %dma_wait3A = arith.constant 0 : i32
      %dma_wait3A_60 = tpu.memref_slice %arg2[%run_scoped3A, %mul3A_2, %dma_wait3A] : memref<2x2560x125xi32, #tpu.memory_space<hbm>> -> memref<1x80x125xi32, #tpu.memory_space<hbm>>
      %dma_wait3A_61 = tpu.memref_squeeze %dma_wait3A_60 : memref<1x80x125xi32, #tpu.memory_space<hbm>> -> memref<80x125xi32, #tpu.memory_space<hbm>>
      %dma_wait3A_62 = arith.constant 0 : i32
      %dma_wait3A_63 = tpu.memref_slice %arg2[%run_scoped3A, %mul3A_2, %dma_wait3A_62] : memref<2x2560x125xi32, #tpu.memory_space<hbm>> -> memref<1x80x125xi32, #tpu.memory_space<hbm>>
      %dma_wait3A_64 = tpu.memref_squeeze %dma_wait3A_63 : memref<1x80x125xi32, #tpu.memory_space<hbm>> -> memref<80x125xi32, #tpu.memory_space<hbm>>
      tpu.wait_dma2 semaphore(%run_scoped3A_54 : memref<!tpu.dma_semaphore, #tpu.memory_space<semaphore_mem>>) src(%dma_wait3A_64 : memref<80x125xi32, #tpu.memory_space<hbm>>) dst(%arg4 : memref<80x125xi32, #tpu.memory_space<vmem>>)
      tpu.yield
    }) : () -> ()
    %broadcast_in_dim3A = arith.constant 0.000000e+00 : f32
    %broadcast_in_dim3A_3 = vector.broadcast %broadcast_in_dim3A : f32 to vector<16xf32>
    %scan3A = arith.constant 0 : i32
    %scan3A_4 = arith.constant 0 : i32
    %scan3A_5 = arith.constant 125 : i32
    %scan3A_6 = arith.addi %scan3A_4, %scan3A_5 : i32
    %scan3A_7 = arith.constant 1 : i32
    %scan3A_8 = scf.for %scan3A_54 = %scan3A_4 to %scan3A_6 step %scan3A_7 iter_args(%scan3A_55 = %scan3A) -> (i32)  : i32 {
      %swap3A = arith.index_cast %scan3A_54 : i32 to index
      %swap3A_56 = arith.constant 0 : index
      %swap3A_57 = tpu.vector_load %arg5[%swap3A, %swap3A_56] {strides = array<i32>} : memref<125x16xf32, #tpu.memory_space<vmem>>, vector<1x16xf32>,
      %swap3A_58 = vector.shape_cast %swap3A_57 : vector<1x16xf32> to vector<16xf32>
      %swap3A_59 = vector.shape_cast %broadcast_in_dim3A_3 : vector<16xf32> to vector<1x16xf32>
      tpu.vector_store %arg5[%swap3A, %swap3A_56], %swap3A_59 {strides = array<i32>} : memref<125x16xf32, #tpu.memory_space<vmem>>, vector<1x16xf32>,
      %scan3A_60 = arith.constant 0 : i32
      scf.yield %scan3A_60 : i32
    }
    %scan3A_9 = arith.constant 125 : i32
    %mul3A_10 = arith.constant 625 : i32
    %mul3A_11 = arith.muli %arg1, %mul3A_10 : i32
    %add3A_12 = arith.constant 0 : i32
    %add3A_13 = arith.addi %mul3A_11, %add3A_12 : i32
    "tpu.region"() ({
      %run_scoped3A_54 = tpu.sem_alloc : memref<!tpu.dma_semaphore, #tpu.memory_space<semaphore_mem>>
      %dma_start3A = arith.constant 0 : i32
      %dma_start3A_55 = tpu.memref_slice %arg6[%add3A_13, %dma_start3A] : memref<10000x16xf32, #tpu.memory_space<vmem_shared>> -> memref<125x16xf32, #tpu.memory_space<vmem_shared>>
      %dma_start3A_56 = arith.constant 0 : i32
      %dma_start3A_57 = tpu.memref_slice %arg6[%add3A_13, %dma_start3A_56] : memref<10000x16xf32, #tpu.memory_space<vmem_shared>> -> memref<125x16xf32, #tpu.memory_space<vmem_shared>>
      tpu.enqueue_dma source(%arg5 : memref<125x16xf32, #tpu.memory_space<vmem>>) target(%dma_start3A_57 : memref<125x16xf32, #tpu.memory_space<vmem_shared>>) target_semaphore(%run_scoped3A_54 : memref<!tpu.dma_semaphore, #tpu.memory_space<semaphore_mem>>)
      %dma_wait3A = arith.constant 0 : i32
      %dma_wait3A_58 = tpu.memref_slice %arg6[%add3A_13, %dma_wait3A] : memref<10000x16xf32, #tpu.memory_space<vmem_shared>> -> memref<125x16xf32, #tpu.memory_space<vmem_shared>>
      %dma_wait3A_59 = arith.constant 0 : i32
      %dma_wait3A_60 = tpu.memref_slice %arg6[%add3A_13, %dma_wait3A_59] : memref<10000x16xf32, #tpu.memory_space<vmem_shared>> -> memref<125x16xf32, #tpu.memory_space<vmem_shared>>
      tpu.wait_dma2 semaphore(%run_scoped3A_54 : memref<!tpu.dma_semaphore, #tpu.memory_space<semaphore_mem>>) src(%arg5 : memref<125x16xf32, #tpu.memory_space<vmem>>) dst(%dma_wait3A_60 : memref<125x16xf32, #tpu.memory_space<vmem_shared>>)
      tpu.yield
    }) : () -> ()
    %mul3A_14 = arith.constant 625 : i32
    %mul3A_15 = arith.muli %arg1, %mul3A_14 : i32
    %add3A_16 = arith.constant 125 : i32
    %add3A_17 = arith.addi %mul3A_15, %add3A_16 : i32
    "tpu.region"() ({
      %run_scoped3A_54 = tpu.sem_alloc : memref<!tpu.dma_semaphore, #tpu.memory_space<semaphore_mem>>
      %dma_start3A = arith.constant 0 : i32
      %dma_start3A_55 = tpu.memref_slice %arg6[%add3A_17, %dma_start3A] : memref<10000x16xf32, #tpu.memory_space<vmem_shared>> -> memref<125x16xf32, #tpu.memory_space<vmem_shared>>
      %dma_start3A_56 = arith.constant 0 : i32
      %dma_start3A_57 = tpu.memref_slice %arg6[%add3A_17, %dma_start3A_56] : memref<10000x16xf32, #tpu.memory_space<vmem_shared>> -> memref<125x16xf32, #tpu.memory_space<vmem_shared>>
      tpu.enqueue_dma source(%arg5 : memref<125x16xf32, #tpu.memory_space<vmem>>) target(%dma_start3A_57 : memref<125x16xf32, #tpu.memory_space<vmem_shared>>) target_semaphore(%run_scoped3A_54 : memref<!tpu.dma_semaphore, #tpu.memory_space<semaphore_mem>>)
      %dma_wait3A = arith.constant 0 : i32
      %dma_wait3A_58 = tpu.memref_slice %arg6[%add3A_17, %dma_wait3A] : memref<10000x16xf32, #tpu.memory_space<vmem_shared>> -> memref<125x16xf32, #tpu.memory_space<vmem_shared>>
      %dma_wait3A_59 = arith.constant 0 : i32
      %dma_wait3A_60 = tpu.memref_slice %arg6[%add3A_17, %dma_wait3A_59] : memref<10000x16xf32, #tpu.memory_space<vmem_shared>> -> memref<125x16xf32, #tpu.memory_space<vmem_shared>>
      tpu.wait_dma2 semaphore(%run_scoped3A_54 : memref<!tpu.dma_semaphore, #tpu.memory_space<semaphore_mem>>) src(%arg5 : memref<125x16xf32, #tpu.memory_space<vmem>>) dst(%dma_wait3A_60 : memref<125x16xf32, #tpu.memory_space<vmem_shared>>)
      tpu.yield
    }) : () -> ()
    %mul3A_18 = arith.constant 625 : i32
    %mul3A_19 = arith.muli %arg1, %mul3A_18 : i32
    %add3A_20 = arith.constant 250 : i32
    %add3A_21 = arith.addi %mul3A_19, %add3A_20 : i32
    "tpu.region"() ({
      %run_scoped3A_54 = tpu.sem_alloc : memref<!tpu.dma_semaphore, #tpu.memory_space<semaphore_mem>>
      %dma_start3A = arith.constant 0 : i32
      %dma_start3A_55 = tpu.memref_slice %arg6[%add3A_21, %dma_start3A] : memref<10000x16xf32, #tpu.memory_space<vmem_shared>> -> memref<125x16xf32, #tpu.memory_space<vmem_shared>>
      %dma_start3A_56 = arith.constant 0 : i32
      %dma_start3A_57 = tpu.memref_slice %arg6[%add3A_21, %dma_start3A_56] : memref<10000x16xf32, #tpu.memory_space<vmem_shared>> -> memref<125x16xf32, #tpu.memory_space<vmem_shared>>
      tpu.enqueue_dma source(%arg5 : memref<125x16xf32, #tpu.memory_space<vmem>>) target(%dma_start3A_57 : memref<125x16xf32, #tpu.memory_space<vmem_shared>>) target_semaphore(%run_scoped3A_54 : memref<!tpu.dma_semaphore, #tpu.memory_space<semaphore_mem>>)
      %dma_wait3A = arith.constant 0 : i32
      %dma_wait3A_58 = tpu.memref_slice %arg6[%add3A_21, %dma_wait3A] : memref<10000x16xf32, #tpu.memory_space<vmem_shared>> -> memref<125x16xf32, #tpu.memory_space<vmem_shared>>
      %dma_wait3A_59 = arith.constant 0 : i32
      %dma_wait3A_60 = tpu.memref_slice %arg6[%add3A_21, %dma_wait3A_59] : memref<10000x16xf32, #tpu.memory_space<vmem_shared>> -> memref<125x16xf32, #tpu.memory_space<vmem_shared>>
      tpu.wait_dma2 semaphore(%run_scoped3A_54 : memref<!tpu.dma_semaphore, #tpu.memory_space<semaphore_mem>>) src(%arg5 : memref<125x16xf32, #tpu.memory_space<vmem>>) dst(%dma_wait3A_60 : memref<125x16xf32, #tpu.memory_space<vmem_shared>>)
      tpu.yield
    }) : () -> ()
    %mul3A_22 = arith.constant 625 : i32
    %mul3A_23 = arith.muli %arg1, %mul3A_22 : i32
    %add3A_24 = arith.constant 375 : i32
    %add3A_25 = arith.addi %mul3A_23, %add3A_24 : i32
    "tpu.region"() ({
      %run_scoped3A_54 = tpu.sem_alloc : memref<!tpu.dma_semaphore, #tpu.memory_space<semaphore_mem>>
      %dma_start3A = arith.constant 0 : i32
      %dma_start3A_55 = tpu.memref_slice %arg6[%add3A_25, %dma_start3A] : memref<10000x16xf32, #tpu.memory_space<vmem_shared>> -> memref<125x16xf32, #tpu.memory_space<vmem_shared>>
      %dma_start3A_56 = arith.constant 0 : i32
      %dma_start3A_57 = tpu.memref_slice %arg6[%add3A_25, %dma_start3A_56] : memref<10000x16xf32, #tpu.memory_space<vmem_shared>> -> memref<125x16xf32, #tpu.memory_space<vmem_shared>>
      tpu.enqueue_dma source(%arg5 : memref<125x16xf32, #tpu.memory_space<vmem>>) target(%dma_start3A_57 : memref<125x16xf32, #tpu.memory_space<vmem_shared>>) target_semaphore(%run_scoped3A_54 : memref<!tpu.dma_semaphore, #tpu.memory_space<semaphore_mem>>)
      %dma_wait3A = arith.constant 0 : i32
      %dma_wait3A_58 = tpu.memref_slice %arg6[%add3A_25, %dma_wait3A] : memref<10000x16xf32, #tpu.memory_space<vmem_shared>> -> memref<125x16xf32, #tpu.memory_space<vmem_shared>>
      %dma_wait3A_59 = arith.constant 0 : i32
      %dma_wait3A_60 = tpu.memref_slice %arg6[%add3A_25, %dma_wait3A_59] : memref<10000x16xf32, #tpu.memory_space<vmem_shared>> -> memref<125x16xf32, #tpu.memory_space<vmem_shared>>
      tpu.wait_dma2 semaphore(%run_scoped3A_54 : memref<!tpu.dma_semaphore, #tpu.memory_space<semaphore_mem>>) src(%arg5 : memref<125x16xf32, #tpu.memory_space<vmem>>) dst(%dma_wait3A_60 : memref<125x16xf32, #tpu.memory_space<vmem_shared>>)
      tpu.yield
    }) : () -> ()
    %mul3A_26 = arith.constant 625 : i32
    %mul3A_27 = arith.muli %arg1, %mul3A_26 : i32
    %add3A_28 = arith.constant 500 : i32
    %add3A_29 = arith.addi %mul3A_27, %add3A_28 : i32
    "tpu.region"() ({
      %run_scoped3A_54 = tpu.sem_alloc : memref<!tpu.dma_semaphore, #tpu.memory_space<semaphore_mem>>
      %dma_start3A = arith.constant 0 : i32
      %dma_start3A_55 = tpu.memref_slice %arg6[%add3A_29, %dma_start3A] : memref<10000x16xf32, #tpu.memory_space<vmem_shared>> -> memref<125x16xf32, #tpu.memory_space<vmem_shared>>
      %dma_start3A_56 = arith.constant 0 : i32
      %dma_start3A_57 = tpu.memref_slice %arg6[%add3A_29, %dma_start3A_56] : memref<10000x16xf32, #tpu.memory_space<vmem_shared>> -> memref<125x16xf32, #tpu.memory_space<vmem_shared>>
      tpu.enqueue_dma source(%arg5 : memref<125x16xf32, #tpu.memory_space<vmem>>) target(%dma_start3A_57 : memref<125x16xf32, #tpu.memory_space<vmem_shared>>) target_semaphore(%run_scoped3A_54 : memref<!tpu.dma_semaphore, #tpu.memory_space<semaphore_mem>>)
      %dma_wait3A = arith.constant 0 : i32
      %dma_wait3A_58 = tpu.memref_slice %arg6[%add3A_29, %dma_wait3A] : memref<10000x16xf32, #tpu.memory_space<vmem_shared>> -> memref<125x16xf32, #tpu.memory_space<vmem_shared>>
      %dma_wait3A_59 = arith.constant 0 : i32
      %dma_wait3A_60 = tpu.memref_slice %arg6[%add3A_29, %dma_wait3A_59] : memref<10000x16xf32, #tpu.memory_space<vmem_shared>> -> memref<125x16xf32, #tpu.memory_space<vmem_shared>>
      tpu.wait_dma2 semaphore(%run_scoped3A_54 : memref<!tpu.dma_semaphore, #tpu.memory_space<semaphore_mem>>) src(%arg5 : memref<125x16xf32, #tpu.memory_space<vmem>>) dst(%dma_wait3A_60 : memref<125x16xf32, #tpu.memory_space<vmem_shared>>)
      tpu.yield
    }) : () -> ()
    %barrier3A = arith.constant 0 : index
    tpu.barrier barrier_id(%barrier3A)
    %iota3A = tpu.iota {dimensions = array<i32: 0>} : vector<16xi32>
    %eq3A = arith.constant 0 : i32
    %eq3A_30 = vector.broadcast %eq3A : i32 to vector<16xi32>
    %eq3A_31 = arith.cmpi eq, %iota3A, %eq3A_30 : vector<16xi32>
    %jit3A = arith.constant 1.000000e+00 : f32
    %jit3A_32 = arith.constant 0.000000e+00 : f32
    %broadcast_in_dim3A_33 = vector.broadcast %jit3A : f32 to vector<16xf32>
    %broadcast_in_dim3A_34 = vector.broadcast %jit3A_32 : f32 to vector<16xf32>
    %select_n3A = arith.select %eq3A_31, %broadcast_in_dim3A_33, %broadcast_in_dim3A_34 : vector<16xi1>, vector<16xf32>
    %scan3A_35 = arith.constant 0 : i32
    %scan3A_36 = arith.constant 0 : i32
    %scan3A_37 = arith.constant 125 : i32
    %scan3A_38 = arith.addi %scan3A_36, %scan3A_37 : i32
    %scan3A_39 = arith.constant 1 : i32
    %scan3A_40 = scf.for %scan3A_54 = %scan3A_36 to %scan3A_38 step %scan3A_39 iter_args(%scan3A_55 = %scan3A_35) -> (i32)  : i32 {
      %swap3A = arith.index_cast %scan3A_54 : i32 to index
      %swap3A_56 = arith.constant 0 : index
      %swap3A_57 = tpu.vector_load %arg5[%swap3A, %swap3A_56] {strides = array<i32>} : memref<125x16xf32, #tpu.memory_space<vmem>>, vector<1x16xf32>,
      %swap3A_58 = vector.shape_cast %swap3A_57 : vector<1x16xf32> to vector<16xf32>
      %swap3A_59 = vector.shape_cast %select_n3A : vector<16xf32> to vector<1x16xf32>
      tpu.vector_store %arg5[%swap3A, %swap3A_56], %swap3A_59 {strides = array<i32>} : memref<125x16xf32, #tpu.memory_space<vmem>>, vector<1x16xf32>,
      %scan3A_60 = arith.constant 0 : i32
      scf.yield %scan3A_60 : i32
    }
    %scan3A_41 = arith.constant 125 : i32
    %scan3A_42 = arith.constant 0 : i32
    %scan3A_43 = arith.constant 0 : i32
    %scan3A_44 = arith.constant 80 : i32
    %scan3A_45 = arith.addi %scan3A_43, %scan3A_44 : i32
    %scan3A_46 = arith.constant 1 : i32
    %scan3A_47 = scf.for %scan3A_54 = %scan3A_43 to %scan3A_45 step %scan3A_46 iter_args(%scan3A_55 = %scan3A_42) -> (i32)  : i32 {
      "tpu.region"() ({
        %run_scoped3A_57 = tpu.sem_alloc : memref<!tpu.dma_semaphore, #tpu.memory_space<semaphore_mem>>
        %dma_start3A = arith.constant 0 : i32
        %dma_start3A_58 = tpu.memref_slice %arg4[%scan3A_54, %dma_start3A] : memref<80x125xi32, #tpu.memory_space<vmem>> -> memref<1x125xi32, #tpu.memory_space<vmem>>
        %dma_start3A_59 = tpu.memref_squeeze %dma_start3A_58 : memref<1x125xi32, #tpu.memory_space<vmem>> -> memref<125xi32, #tpu.memory_space<vmem>>
        %dma_start3A_60 = arith.constant 0 : i32
        %dma_start3A_61 = arith.constant 0 : i32
        %dma_start3A_62 = tpu.memref_slice %arg6[%dma_start3A_60, %dma_start3A_61] : memref<10000x16xf32, #tpu.memory_space<vmem_shared>> -> memref<10000x16xf32, #tpu.memory_space<vmem_shared>>
        tpu.enqueue_indirect_dma source(%arg5 : memref<125x16xf32, #tpu.memory_space<vmem>>) target(%dma_start3A_62 : memref<10000x16xf32, #tpu.memory_space<vmem_shared>>) offsets(%dma_start3A_59 : memref<125xi32, #tpu.memory_space<vmem>>) semaphore(%run_scoped3A_57 : memref<!tpu.dma_semaphore, #tpu.memory_space<semaphore_mem>>) {add = true}
        %dma_wait3A = arith.constant 0 : i32
        %dma_wait3A_63 = tpu.memref_slice %arg4[%scan3A_54, %dma_wait3A] : memref<80x125xi32, #tpu.memory_space<vmem>> -> memref<1x125xi32, #tpu.memory_space<vmem>>
        %dma_wait3A_64 = tpu.memref_squeeze %dma_wait3A_63 : memref<1x125xi32, #tpu.memory_space<vmem>> -> memref<125xi32, #tpu.memory_space<vmem>>
        %dma_wait3A_65 = arith.constant 0 : i32
        %dma_wait3A_66 = arith.constant 0 : i32
        %dma_wait3A_67 = tpu.memref_slice %arg6[%dma_wait3A_65, %dma_wait3A_66] : memref<10000x16xf32, #tpu.memory_space<vmem_shared>> -> memref<10000x16xf32, #tpu.memory_space<vmem_shared>>
        tpu.wait_indirect_dma semaphore(%run_scoped3A_57 : memref<!tpu.dma_semaphore, #tpu.memory_space<semaphore_mem>>) src(%arg5 : memref<125x16xf32, #tpu.memory_space<vmem>>) dst(%dma_wait3A_67 : memref<10000x16xf32, #tpu.memory_space<vmem_shared>>)
        tpu.yield
      }) : () -> ()
      %scan3A_56 = arith.constant 0 : i32
      scf.yield %scan3A_56 : i32
    }
    %scan3A_48 = arith.constant 80 : i32
    %barrier3A_49 = arith.constant 0 : index
    tpu.barrier barrier_id(%barrier3A_49)
    %mul3A_50 = arith.constant 625 : i32
    %mul3A_51 = arith.muli %arg1, %mul3A_50 : i32
    %mul3A_52 = arith.constant 625 : i32
    %mul3A_53 = arith.muli %arg1, %mul3A_52 : i32
    "tpu.region"() ({
      %run_scoped3A_54 = tpu.sem_alloc : memref<!tpu.dma_semaphore, #tpu.memory_space<semaphore_mem>>
      %dma_start3A = arith.constant 0 : i32
      %dma_start3A_55 = tpu.memref_slice %arg3[%arg0, %mul3A_53, %dma_start3A] : memref<2x10000x8xf32, #tpu.memory_space<hbm>> -> memref<1x625x8xf32, #tpu.memory_space<hbm>>
      %dma_start3A_56 = tpu.memref_squeeze %dma_start3A_55 : memref<1x625x8xf32, #tpu.memory_space<hbm>> -> memref<625x8xf32, #tpu.memory_space<hbm>>
      %dma_start3A_57 = arith.constant 0 : i32
      %dma_start3A_58 = tpu.memref_slice %arg6[%mul3A_51, %dma_start3A_57] : memref<10000x16xf32, #tpu.memory_space<vmem_shared>> -> memref<625x8xf32, #tpu.memory_space<vmem_shared>>
      tpu.enqueue_dma source(%dma_start3A_58 : memref<625x8xf32, #tpu.memory_space<vmem_shared>>) target(%dma_start3A_56 : memref<625x8xf32, #tpu.memory_space<hbm>>) target_semaphore(%run_scoped3A_54 : memref<!tpu.dma_semaphore, #tpu.memory_space<semaphore_mem>>)
      %dma_wait3A = arith.constant 0 : i32
      %dma_wait3A_59 = tpu.memref_slice %arg3[%arg0, %mul3A_53, %dma_wait3A] : memref<2x10000x8xf32, #tpu.memory_space<hbm>> -> memref<1x625x8xf32, #tpu.memory_space<hbm>>
      %dma_wait3A_60 = tpu.memref_squeeze %dma_wait3A_59 : memref<1x625x8xf32, #tpu.memory_space<hbm>> -> memref<625x8xf32, #tpu.memory_space<hbm>>
      %dma_wait3A_61 = arith.constant 0 : i32
      %dma_wait3A_62 = tpu.memref_slice %arg6[%mul3A_51, %dma_wait3A_61] : memref<10000x16xf32, #tpu.memory_space<vmem_shared>> -> memref<625x8xf32, #tpu.memory_space<vmem_shared>>
      tpu.wait_dma2 semaphore(%run_scoped3A_54 : memref<!tpu.dma_semaphore, #tpu.memory_space<semaphore_mem>>) src(%dma_wait3A_62 : memref<625x8xf32, #tpu.memory_space<vmem_shared>>) dst(%dma_wait3A_60 : memref<625x8xf32, #tpu.memory_space<hbm>>)
      tpu.yield
    }) : () -> ()
    return
  }
}

#map = affine_map<(d0, d1) -> (0, 0, 0)>
#map1 = affine_map<(d0, d1) -> (0, 0)>
module attributes {stable_mosaic.version = 14 : i64} {
  func.func @_scatter_kernel_body(%arg0: i32, %arg1: i32, %arg2: memref<2x2560x125xi32, #tpu.memory_space<hbm>>, %arg3: memref<10000x64xf32, #tpu.memory_space<hbm>>, %arg4: memref<2x10000x64xf32, #tpu.memory_space<hbm>>, %arg5: memref<80x125xi32, #tpu.memory_space<vmem>>, %arg6: memref<80x125xi32, #tpu.memory_space<vmem>>, %arg7: memref<3x125x64xf32, #tpu.memory_space<vmem>>, %arg8: memref<10000x64xf32, #tpu.memory_space<vmem_shared>>, %arg9: memref<10000x64xf32, #tpu.memory_space<vmem_shared>>, %arg10: memref<!tpu.dma_semaphore, #tpu.memory_space<semaphore_mem>>, %arg11: memref<!tpu.dma_semaphore, #tpu.memory_space<semaphore_mem>>, %arg12: memref<!tpu.dma_semaphore, #tpu.memory_space<semaphore_mem>>, %arg13: memref<!tpu.dma_semaphore, #tpu.memory_space<semaphore_mem>>, %arg14: memref<!tpu.dma_semaphore, #tpu.memory_space<semaphore_mem>>, %arg15: memref<!tpu.dma_semaphore, #tpu.memory_space<semaphore_mem>>) attributes {dimension_semantics = [#tpu.dimension_semantics<core_parallel>, #tpu.dimension_semantics<subcore_parallel>], iteration_bounds = array<i64: 2, 16>, scalar_prefetch = 0 : i64, scratch_operands = 11 : i64, tpu.core_type = #tpu.core_type<sc_vector_subcore>, window_params = [{transform_indices = #map}, {transform_indices = #map1}, {transform_indices = #map}]} {
    %mul3A = arith.constant 2 : i32
    %mul3A_0 = arith.muli %arg1, %mul3A : i32
    %add3A = arith.addi %mul3A_0, %arg0 : i32
    %mul3A_1 = arith.constant 625 : i32
    %mul3A_2 = arith.muli %arg1, %mul3A_1 : i32
    %mul3A_3 = arith.constant 625 : i32
    %mul3A_4 = arith.muli %arg1, %mul3A_3 : i32
    "tpu.region"() ({
      %run_scoped3A_55 = tpu.sem_alloc : memref<!tpu.dma_semaphore, #tpu.memory_space<semaphore_mem>>
      %dma_start3A = arith.constant 0 : i32
      %dma_start3A_56 = tpu.memref_slice %arg9[%mul3A_4, %dma_start3A] : memref<10000x64xf32, #tpu.memory_space<vmem_shared>> -> memref<625x64xf32, #tpu.memory_space<vmem_shared>>
      %dma_start3A_57 = arith.constant 0 : i32
      %dma_start3A_58 = tpu.memref_slice %arg3[%mul3A_2, %dma_start3A_57] : memref<10000x64xf32, #tpu.memory_space<hbm>> -> memref<625x64xf32, #tpu.memory_space<hbm>>
      tpu.enqueue_dma source(%dma_start3A_58 : memref<625x64xf32, #tpu.memory_space<hbm>>) target(%dma_start3A_56 : memref<625x64xf32, #tpu.memory_space<vmem_shared>>) target_semaphore(%run_scoped3A_55 : memref<!tpu.dma_semaphore, #tpu.memory_space<semaphore_mem>>)
      %dma_wait3A = arith.constant 0 : i32
      %dma_wait3A_59 = tpu.memref_slice %arg9[%mul3A_4, %dma_wait3A] : memref<10000x64xf32, #tpu.memory_space<vmem_shared>> -> memref<625x64xf32, #tpu.memory_space<vmem_shared>>
      %dma_wait3A_60 = arith.constant 0 : i32
      %dma_wait3A_61 = tpu.memref_slice %arg3[%mul3A_2, %dma_wait3A_60] : memref<10000x64xf32, #tpu.memory_space<hbm>> -> memref<625x64xf32, #tpu.memory_space<hbm>>
      tpu.wait_dma2 semaphore(%run_scoped3A_55 : memref<!tpu.dma_semaphore, #tpu.memory_space<semaphore_mem>>) src(%dma_wait3A_61 : memref<625x64xf32, #tpu.memory_space<hbm>>) dst(%dma_wait3A_59 : memref<625x64xf32, #tpu.memory_space<vmem_shared>>)
      tpu.yield
    }) : () -> ()
    %mul3A_5 = arith.constant 80 : i32
    %mul3A_6 = arith.muli %add3A, %mul3A_5 : i32
    %run_scoped3A = arith.constant 0 : i32
    "tpu.region"() ({
      %run_scoped3A_55 = tpu.sem_alloc : memref<!tpu.dma_semaphore, #tpu.memory_space<semaphore_mem>>
      %dma_start3A = arith.constant 0 : i32
      %dma_start3A_56 = tpu.memref_slice %arg2[%run_scoped3A, %mul3A_6, %dma_start3A] : memref<2x2560x125xi32, #tpu.memory_space<hbm>> -> memref<1x80x125xi32, #tpu.memory_space<hbm>>
      %dma_start3A_57 = tpu.memref_squeeze %dma_start3A_56 : memref<1x80x125xi32, #tpu.memory_space<hbm>> -> memref<80x125xi32, #tpu.memory_space<hbm>>
      %dma_start3A_58 = arith.constant 0 : i32
      %dma_start3A_59 = tpu.memref_slice %arg2[%run_scoped3A, %mul3A_6, %dma_start3A_58] : memref<2x2560x125xi32, #tpu.memory_space<hbm>> -> memref<1x80x125xi32, #tpu.memory_space<hbm>>
      %dma_start3A_60 = tpu.memref_squeeze %dma_start3A_59 : memref<1x80x125xi32, #tpu.memory_space<hbm>> -> memref<80x125xi32, #tpu.memory_space<hbm>>
      tpu.enqueue_dma source(%dma_start3A_60 : memref<80x125xi32, #tpu.memory_space<hbm>>) target(%arg5 : memref<80x125xi32, #tpu.memory_space<vmem>>) target_semaphore(%run_scoped3A_55 : memref<!tpu.dma_semaphore, #tpu.memory_space<semaphore_mem>>)
      %dma_wait3A = arith.constant 0 : i32
      %dma_wait3A_61 = tpu.memref_slice %arg2[%run_scoped3A, %mul3A_6, %dma_wait3A] : memref<2x2560x125xi32, #tpu.memory_space<hbm>> -> memref<1x80x125xi32, #tpu.memory_space<hbm>>
      %dma_wait3A_62 = tpu.memref_squeeze %dma_wait3A_61 : memref<1x80x125xi32, #tpu.memory_space<hbm>> -> memref<80x125xi32, #tpu.memory_space<hbm>>
      %dma_wait3A_63 = arith.constant 0 : i32
      %dma_wait3A_64 = tpu.memref_slice %arg2[%run_scoped3A, %mul3A_6, %dma_wait3A_63] : memref<2x2560x125xi32, #tpu.memory_space<hbm>> -> memref<1x80x125xi32, #tpu.memory_space<hbm>>
      %dma_wait3A_65 = tpu.memref_squeeze %dma_wait3A_64 : memref<1x80x125xi32, #tpu.memory_space<hbm>> -> memref<80x125xi32, #tpu.memory_space<hbm>>
      tpu.wait_dma2 semaphore(%run_scoped3A_55 : memref<!tpu.dma_semaphore, #tpu.memory_space<semaphore_mem>>) src(%dma_wait3A_65 : memref<80x125xi32, #tpu.memory_space<hbm>>) dst(%arg5 : memref<80x125xi32, #tpu.memory_space<vmem>>)
      tpu.yield
    }) : () -> ()
    %mul3A_7 = arith.constant 80 : i32
    %mul3A_8 = arith.muli %add3A, %mul3A_7 : i32
    %run_scoped3A_9 = arith.constant 1 : i32
    "tpu.region"() ({
      %run_scoped3A_55 = tpu.sem_alloc : memref<!tpu.dma_semaphore, #tpu.memory_space<semaphore_mem>>
      %dma_start3A = arith.constant 0 : i32
      %dma_start3A_56 = tpu.memref_slice %arg2[%run_scoped3A_9, %mul3A_8, %dma_start3A] : memref<2x2560x125xi32, #tpu.memory_space<hbm>> -> memref<1x80x125xi32, #tpu.memory_space<hbm>>
      %dma_start3A_57 = tpu.memref_squeeze %dma_start3A_56 : memref<1x80x125xi32, #tpu.memory_space<hbm>> -> memref<80x125xi32, #tpu.memory_space<hbm>>
      %dma_start3A_58 = arith.constant 0 : i32
      %dma_start3A_59 = tpu.memref_slice %arg2[%run_scoped3A_9, %mul3A_8, %dma_start3A_58] : memref<2x2560x125xi32, #tpu.memory_space<hbm>> -> memref<1x80x125xi32, #tpu.memory_space<hbm>>
      %dma_start3A_60 = tpu.memref_squeeze %dma_start3A_59 : memref<1x80x125xi32, #tpu.memory_space<hbm>> -> memref<80x125xi32, #tpu.memory_space<hbm>>
      tpu.enqueue_dma source(%dma_start3A_60 : memref<80x125xi32, #tpu.memory_space<hbm>>) target(%arg6 : memref<80x125xi32, #tpu.memory_space<vmem>>) target_semaphore(%run_scoped3A_55 : memref<!tpu.dma_semaphore, #tpu.memory_space<semaphore_mem>>)
      %dma_wait3A = arith.constant 0 : i32
      %dma_wait3A_61 = tpu.memref_slice %arg2[%run_scoped3A_9, %mul3A_8, %dma_wait3A] : memref<2x2560x125xi32, #tpu.memory_space<hbm>> -> memref<1x80x125xi32, #tpu.memory_space<hbm>>
      %dma_wait3A_62 = tpu.memref_squeeze %dma_wait3A_61 : memref<1x80x125xi32, #tpu.memory_space<hbm>> -> memref<80x125xi32, #tpu.memory_space<hbm>>
      %dma_wait3A_63 = arith.constant 0 : i32
      %dma_wait3A_64 = tpu.memref_slice %arg2[%run_scoped3A_9, %mul3A_8, %dma_wait3A_63] : memref<2x2560x125xi32, #tpu.memory_space<hbm>> -> memref<1x80x125xi32, #tpu.memory_space<hbm>>
      %dma_wait3A_65 = tpu.memref_squeeze %dma_wait3A_64 : memref<1x80x125xi32, #tpu.memory_space<hbm>> -> memref<80x125xi32, #tpu.memory_space<hbm>>
      tpu.wait_dma2 semaphore(%run_scoped3A_55 : memref<!tpu.dma_semaphore, #tpu.memory_space<semaphore_mem>>) src(%dma_wait3A_65 : memref<80x125xi32, #tpu.memory_space<hbm>>) dst(%arg6 : memref<80x125xi32, #tpu.memory_space<vmem>>)
      tpu.yield
    }) : () -> ()
    %broadcast_in_dim3A = arith.constant 0.000000e+00 : f32
    %broadcast_in_dim3A_10 = vector.broadcast %broadcast_in_dim3A : f32 to vector<16xf32>
    %scan3A = arith.constant 0 : i32
    %scan3A_11 = arith.constant 0 : i32
    %scan3A_12 = arith.constant 0 : i32
    %scan3A_13 = arith.constant 125 : i32
    %scan3A_14 = arith.addi %scan3A_12, %scan3A_13 : i32
    %scan3A_15 = arith.constant 1 : i32
    %scan3A_16 = scf.for %scan3A_55 = %scan3A_12 to %scan3A_14 step %scan3A_15 iter_args(%scan3A_56 = %scan3A_11) -> (i32)  : i32 {
      %swap3A = arith.constant 0 : i32
      %swap3A_57 = arith.constant 0 : i32
      %swap3A_58 = tpu.memref_slice %arg7[%scan3A, %swap3A, %swap3A_57] : memref<3x125x64xf32, #tpu.memory_space<vmem>> -> memref<1x125x64xf32, #tpu.memory_space<vmem>>
      %swap3A_59 = tpu.memref_squeeze %swap3A_58 : memref<1x125x64xf32, #tpu.memory_space<vmem>> -> memref<125x64xf32, #tpu.memory_space<vmem>>
      %swap3A_60 = arith.index_cast %scan3A_55 : i32 to index
      %swap3A_61 = arith.constant 0 : index
      %swap3A_62 = tpu.vector_load %swap3A_59[%swap3A_60, %swap3A_61] {strides = array<i32>} : memref<125x64xf32, #tpu.memory_space<vmem>>, vector<1x16xf32>,
      %swap3A_63 = vector.shape_cast %swap3A_62 : vector<1x16xf32> to vector<16xf32>
      %swap3A_64 = vector.shape_cast %broadcast_in_dim3A_10 : vector<16xf32> to vector<1x16xf32>
      tpu.vector_store %swap3A_59[%swap3A_60, %swap3A_61], %swap3A_64 {strides = array<i32>} : memref<125x64xf32, #tpu.memory_space<vmem>>, vector<1x16xf32>,
      %swap3A_65 = arith.constant 0 : i32
      %swap3A_66 = arith.constant 0 : i32
      %swap3A_67 = tpu.memref_slice %arg7[%scan3A, %swap3A_65, %swap3A_66] : memref<3x125x64xf32, #tpu.memory_space<vmem>> -> memref<1x125x64xf32, #tpu.memory_space<vmem>>
      %swap3A_68 = tpu.memref_squeeze %swap3A_67 : memref<1x125x64xf32, #tpu.memory_space<vmem>> -> memref<125x64xf32, #tpu.memory_space<vmem>>
      %swap3A_69 = arith.index_cast %scan3A_55 : i32 to index
      %swap3A_70 = arith.constant 16 : index
      %swap3A_71 = tpu.vector_load %swap3A_68[%swap3A_69, %swap3A_70] {strides = array<i32>} : memref<125x64xf32, #tpu.memory_space<vmem>>, vector<1x16xf32>,
      %swap3A_72 = vector.shape_cast %swap3A_71 : vector<1x16xf32> to vector<16xf32>
      %swap3A_73 = vector.shape_cast %broadcast_in_dim3A_10 : vector<16xf32> to vector<1x16xf32>
      tpu.vector_store %swap3A_68[%swap3A_69, %swap3A_70], %swap3A_73 {strides = array<i32>} : memref<125x64xf32, #tpu.memory_space<vmem>>, vector<1x16xf32>,
      %swap3A_74 = arith.constant 0 : i32
      %swap3A_75 = arith.constant 0 : i32
      %swap3A_76 = tpu.memref_slice %arg7[%scan3A, %swap3A_74, %swap3A_75] : memref<3x125x64xf32, #tpu.memory_space<vmem>> -> memref<1x125x64xf32, #tpu.memory_space<vmem>>
      %swap3A_77 = tpu.memref_squeeze %swap3A_76 : memref<1x125x64xf32, #tpu.memory_space<vmem>> -> memref<125x64xf32, #tpu.memory_space<vmem>>
      %swap3A_78 = arith.index_cast %scan3A_55 : i32 to index
      %swap3A_79 = arith.constant 32 : index
      %swap3A_80 = tpu.vector_load %swap3A_77[%swap3A_78, %swap3A_79] {strides = array<i32>} : memref<125x64xf32, #tpu.memory_space<vmem>>, vector<1x16xf32>,
      %swap3A_81 = vector.shape_cast %swap3A_80 : vector<1x16xf32> to vector<16xf32>
      %swap3A_82 = vector.shape_cast %broadcast_in_dim3A_10 : vector<16xf32> to vector<1x16xf32>
      tpu.vector_store %swap3A_77[%swap3A_78, %swap3A_79], %swap3A_82 {strides = array<i32>} : memref<125x64xf32, #tpu.memory_space<vmem>>, vector<1x16xf32>,
      %swap3A_83 = arith.constant 0 : i32
      %swap3A_84 = arith.constant 0 : i32
      %swap3A_85 = tpu.memref_slice %arg7[%scan3A, %swap3A_83, %swap3A_84] : memref<3x125x64xf32, #tpu.memory_space<vmem>> -> memref<1x125x64xf32, #tpu.memory_space<vmem>>
      %swap3A_86 = tpu.memref_squeeze %swap3A_85 : memref<1x125x64xf32, #tpu.memory_space<vmem>> -> memref<125x64xf32, #tpu.memory_space<vmem>>
      %swap3A_87 = arith.index_cast %scan3A_55 : i32 to index
      %swap3A_88 = arith.constant 48 : index
      %swap3A_89 = tpu.vector_load %swap3A_86[%swap3A_87, %swap3A_88] {strides = array<i32>} : memref<125x64xf32, #tpu.memory_space<vmem>>, vector<1x16xf32>,
      %swap3A_90 = vector.shape_cast %swap3A_89 : vector<1x16xf32> to vector<16xf32>
      %swap3A_91 = vector.shape_cast %broadcast_in_dim3A_10 : vector<16xf32> to vector<1x16xf32>
      tpu.vector_store %swap3A_86[%swap3A_87, %swap3A_88], %swap3A_91 {strides = array<i32>} : memref<125x64xf32, #tpu.memory_space<vmem>>, vector<1x16xf32>,
      %scan3A_92 = arith.constant 0 : i32
      scf.yield %scan3A_92 : i32
    }
    %scan3A_17 = arith.constant 125 : i32
    %mul3A_18 = arith.constant 625 : i32
    %mul3A_19 = arith.muli %arg1, %mul3A_18 : i32
    %add3A_20 = arith.constant 0 : i32
    %add3A_21 = arith.addi %mul3A_19, %add3A_20 : i32
    %run_scoped3A_22 = arith.constant 0 : i32
    "tpu.region"() ({
      %run_scoped3A_55 = tpu.sem_alloc : memref<!tpu.dma_semaphore, #tpu.memory_space<semaphore_mem>>
      %dma_start3A = arith.constant 0 : i32
      %dma_start3A_56 = arith.constant 0 : i32
      %dma_start3A_57 = tpu.memref_slice %arg7[%run_scoped3A_22, %dma_start3A, %dma_start3A_56] : memref<3x125x64xf32, #tpu.memory_space<vmem>> -> memref<1x125x64xf32, #tpu.memory_space<vmem>>
      %dma_start3A_58 = tpu.memref_squeeze %dma_start3A_57 : memref<1x125x64xf32, #tpu.memory_space<vmem>> -> memref<125x64xf32, #tpu.memory_space<vmem>>
      %dma_start3A_59 = arith.constant 0 : i32
      %dma_start3A_60 = tpu.memref_slice %arg8[%add3A_21, %dma_start3A_59] : memref<10000x64xf32, #tpu.memory_space<vmem_shared>> -> memref<125x64xf32, #tpu.memory_space<vmem_shared>>
      %dma_start3A_61 = arith.constant 0 : i32
      %dma_start3A_62 = tpu.memref_slice %arg8[%add3A_21, %dma_start3A_61] : memref<10000x64xf32, #tpu.memory_space<vmem_shared>> -> memref<125x64xf32, #tpu.memory_space<vmem_shared>>
      %dma_start3A_63 = arith.constant 0 : i32
      %dma_start3A_64 = arith.constant 0 : i32
      %dma_start3A_65 = tpu.memref_slice %arg7[%run_scoped3A_22, %dma_start3A_63, %dma_start3A_64] : memref<3x125x64xf32, #tpu.memory_space<vmem>> -> memref<1x125x64xf32, #tpu.memory_space<vmem>>
      %dma_start3A_66 = tpu.memref_squeeze %dma_start3A_65 : memref<1x125x64xf32, #tpu.memory_space<vmem>> -> memref<125x64xf32, #tpu.memory_space<vmem>>
      tpu.enqueue_dma source(%dma_start3A_66 : memref<125x64xf32, #tpu.memory_space<vmem>>) target(%dma_start3A_62 : memref<125x64xf32, #tpu.memory_space<vmem_shared>>) target_semaphore(%run_scoped3A_55 : memref<!tpu.dma_semaphore, #tpu.memory_space<semaphore_mem>>)
      %dma_wait3A = arith.constant 0 : i32
      %dma_wait3A_67 = arith.constant 0 : i32
      %dma_wait3A_68 = tpu.memref_slice %arg7[%run_scoped3A_22, %dma_wait3A, %dma_wait3A_67] : memref<3x125x64xf32, #tpu.memory_space<vmem>> -> memref<1x125x64xf32, #tpu.memory_space<vmem>>
      %dma_wait3A_69 = tpu.memref_squeeze %dma_wait3A_68 : memref<1x125x64xf32, #tpu.memory_space<vmem>> -> memref<125x64xf32, #tpu.memory_space<vmem>>
      %dma_wait3A_70 = arith.constant 0 : i32
      %dma_wait3A_71 = tpu.memref_slice %arg8[%add3A_21, %dma_wait3A_70] : memref<10000x64xf32, #tpu.memory_space<vmem_shared>> -> memref<125x64xf32, #tpu.memory_space<vmem_shared>>
      %dma_wait3A_72 = arith.constant 0 : i32
      %dma_wait3A_73 = tpu.memref_slice %arg8[%add3A_21, %dma_wait3A_72] : memref<10000x64xf32, #tpu.memory_space<vmem_shared>> -> memref<125x64xf32, #tpu.memory_space<vmem_shared>>
      %dma_wait3A_74 = arith.constant 0 : i32
      %dma_wait3A_75 = arith.constant 0 : i32
      %dma_wait3A_76 = tpu.memref_slice %arg7[%run_scoped3A_22, %dma_wait3A_74, %dma_wait3A_75] : memref<3x125x64xf32, #tpu.memory_space<vmem>> -> memref<1x125x64xf32, #tpu.memory_space<vmem>>
      %dma_wait3A_77 = tpu.memref_squeeze %dma_wait3A_76 : memref<1x125x64xf32, #tpu.memory_space<vmem>> -> memref<125x64xf32, #tpu.memory_space<vmem>>
      tpu.wait_dma2 semaphore(%run_scoped3A_55 : memref<!tpu.dma_semaphore, #tpu.memory_space<semaphore_mem>>) src(%dma_wait3A_77 : memref<125x64xf32, #tpu.memory_space<vmem>>) dst(%dma_wait3A_73 : memref<125x64xf32, #tpu.memory_space<vmem_shared>>)
      tpu.yield
    }) : () -> ()
    %mul3A_23 = arith.constant 625 : i32
    %mul3A_24 = arith.muli %arg1, %mul3A_23 : i32
    %add3A_25 = arith.constant 125 : i32
    %add3A_26 = arith.addi %mul3A_24, %add3A_25 : i32
    %run_scoped3A_27 = arith.constant 0 : i32
    "tpu.region"() ({
      %run_scoped3A_55 = tpu.sem_alloc : memref<!tpu.dma_semaphore, #tpu.memory_space<semaphore_mem>>
      %dma_start3A = arith.constant 0 : i32
      %dma_start3A_56 = arith.constant 0 : i32
      %dma_start3A_57 = tpu.memref_slice %arg7[%run_scoped3A_27, %dma_start3A, %dma_start3A_56] : memref<3x125x64xf32, #tpu.memory_space<vmem>> -> memref<1x125x64xf32, #tpu.memory_space<vmem>>
      %dma_start3A_58 = tpu.memref_squeeze %dma_start3A_57 : memref<1x125x64xf32, #tpu.memory_space<vmem>> -> memref<125x64xf32, #tpu.memory_space<vmem>>
      %dma_start3A_59 = arith.constant 0 : i32
      %dma_start3A_60 = tpu.memref_slice %arg8[%add3A_26, %dma_start3A_59] : memref<10000x64xf32, #tpu.memory_space<vmem_shared>> -> memref<125x64xf32, #tpu.memory_space<vmem_shared>>
      %dma_start3A_61 = arith.constant 0 : i32
      %dma_start3A_62 = tpu.memref_slice %arg8[%add3A_26, %dma_start3A_61] : memref<10000x64xf32, #tpu.memory_space<vmem_shared>> -> memref<125x64xf32, #tpu.memory_space<vmem_shared>>
      %dma_start3A_63 = arith.constant 0 : i32
      %dma_start3A_64 = arith.constant 0 : i32
      %dma_start3A_65 = tpu.memref_slice %arg7[%run_scoped3A_27, %dma_start3A_63, %dma_start3A_64] : memref<3x125x64xf32, #tpu.memory_space<vmem>> -> memref<1x125x64xf32, #tpu.memory_space<vmem>>
      %dma_start3A_66 = tpu.memref_squeeze %dma_start3A_65 : memref<1x125x64xf32, #tpu.memory_space<vmem>> -> memref<125x64xf32, #tpu.memory_space<vmem>>
      tpu.enqueue_dma source(%dma_start3A_66 : memref<125x64xf32, #tpu.memory_space<vmem>>) target(%dma_start3A_62 : memref<125x64xf32, #tpu.memory_space<vmem_shared>>) target_semaphore(%run_scoped3A_55 : memref<!tpu.dma_semaphore, #tpu.memory_space<semaphore_mem>>)
      %dma_wait3A = arith.constant 0 : i32
      %dma_wait3A_67 = arith.constant 0 : i32
      %dma_wait3A_68 = tpu.memref_slice %arg7[%run_scoped3A_27, %dma_wait3A, %dma_wait3A_67] : memref<3x125x64xf32, #tpu.memory_space<vmem>> -> memref<1x125x64xf32, #tpu.memory_space<vmem>>
      %dma_wait3A_69 = tpu.memref_squeeze %dma_wait3A_68 : memref<1x125x64xf32, #tpu.memory_space<vmem>> -> memref<125x64xf32, #tpu.memory_space<vmem>>
      %dma_wait3A_70 = arith.constant 0 : i32
      %dma_wait3A_71 = tpu.memref_slice %arg8[%add3A_26, %dma_wait3A_70] : memref<10000x64xf32, #tpu.memory_space<vmem_shared>> -> memref<125x64xf32, #tpu.memory_space<vmem_shared>>
      %dma_wait3A_72 = arith.constant 0 : i32
      %dma_wait3A_73 = tpu.memref_slice %arg8[%add3A_26, %dma_wait3A_72] : memref<10000x64xf32, #tpu.memory_space<vmem_shared>> -> memref<125x64xf32, #tpu.memory_space<vmem_shared>>
      %dma_wait3A_74 = arith.constant 0 : i32
      %dma_wait3A_75 = arith.constant 0 : i32
      %dma_wait3A_76 = tpu.memref_slice %arg7[%run_scoped3A_27, %dma_wait3A_74, %dma_wait3A_75] : memref<3x125x64xf32, #tpu.memory_space<vmem>> -> memref<1x125x64xf32, #tpu.memory_space<vmem>>
      %dma_wait3A_77 = tpu.memref_squeeze %dma_wait3A_76 : memref<1x125x64xf32, #tpu.memory_space<vmem>> -> memref<125x64xf32, #tpu.memory_space<vmem>>
      tpu.wait_dma2 semaphore(%run_scoped3A_55 : memref<!tpu.dma_semaphore, #tpu.memory_space<semaphore_mem>>) src(%dma_wait3A_77 : memref<125x64xf32, #tpu.memory_space<vmem>>) dst(%dma_wait3A_73 : memref<125x64xf32, #tpu.memory_space<vmem_shared>>)
      tpu.yield
    }) : () -> ()
    %mul3A_28 = arith.constant 625 : i32
    %mul3A_29 = arith.muli %arg1, %mul3A_28 : i32
    %add3A_30 = arith.constant 250 : i32
    %add3A_31 = arith.addi %mul3A_29, %add3A_30 : i32
    %run_scoped3A_32 = arith.constant 0 : i32
    "tpu.region"() ({
      %run_scoped3A_55 = tpu.sem_alloc : memref<!tpu.dma_semaphore, #tpu.memory_space<semaphore_mem>>
      %dma_start3A = arith.constant 0 : i32
      %dma_start3A_56 = arith.constant 0 : i32
      %dma_start3A_57 = tpu.memref_slice %arg7[%run_scoped3A_32, %dma_start3A, %dma_start3A_56] : memref<3x125x64xf32, #tpu.memory_space<vmem>> -> memref<1x125x64xf32, #tpu.memory_space<vmem>>
      %dma_start3A_58 = tpu.memref_squeeze %dma_start3A_57 : memref<1x125x64xf32, #tpu.memory_space<vmem>> -> memref<125x64xf32, #tpu.memory_space<vmem>>
      %dma_start3A_59 = arith.constant 0 : i32
      %dma_start3A_60 = tpu.memref_slice %arg8[%add3A_31, %dma_start3A_59] : memref<10000x64xf32, #tpu.memory_space<vmem_shared>> -> memref<125x64xf32, #tpu.memory_space<vmem_shared>>
      %dma_start3A_61 = arith.constant 0 : i32
      %dma_start3A_62 = tpu.memref_slice %arg8[%add3A_31, %dma_start3A_61] : memref<10000x64xf32, #tpu.memory_space<vmem_shared>> -> memref<125x64xf32, #tpu.memory_space<vmem_shared>>
      %dma_start3A_63 = arith.constant 0 : i32
      %dma_start3A_64 = arith.constant 0 : i32
      %dma_start3A_65 = tpu.memref_slice %arg7[%run_scoped3A_32, %dma_start3A_63, %dma_start3A_64] : memref<3x125x64xf32, #tpu.memory_space<vmem>> -> memref<1x125x64xf32, #tpu.memory_space<vmem>>
      %dma_start3A_66 = tpu.memref_squeeze %dma_start3A_65 : memref<1x125x64xf32, #tpu.memory_space<vmem>> -> memref<125x64xf32, #tpu.memory_space<vmem>>
      tpu.enqueue_dma source(%dma_start3A_66 : memref<125x64xf32, #tpu.memory_space<vmem>>) target(%dma_start3A_62 : memref<125x64xf32, #tpu.memory_space<vmem_shared>>) target_semaphore(%run_scoped3A_55 : memref<!tpu.dma_semaphore, #tpu.memory_space<semaphore_mem>>)
      %dma_wait3A = arith.constant 0 : i32
      %dma_wait3A_67 = arith.constant 0 : i32
      %dma_wait3A_68 = tpu.memref_slice %arg7[%run_scoped3A_32, %dma_wait3A, %dma_wait3A_67] : memref<3x125x64xf32, #tpu.memory_space<vmem>> -> memref<1x125x64xf32, #tpu.memory_space<vmem>>
      %dma_wait3A_69 = tpu.memref_squeeze %dma_wait3A_68 : memref<1x125x64xf32, #tpu.memory_space<vmem>> -> memref<125x64xf32, #tpu.memory_space<vmem>>
      %dma_wait3A_70 = arith.constant 0 : i32
      %dma_wait3A_71 = tpu.memref_slice %arg8[%add3A_31, %dma_wait3A_70] : memref<10000x64xf32, #tpu.memory_space<vmem_shared>> -> memref<125x64xf32, #tpu.memory_space<vmem_shared>>
      %dma_wait3A_72 = arith.constant 0 : i32
      %dma_wait3A_73 = tpu.memref_slice %arg8[%add3A_31, %dma_wait3A_72] : memref<10000x64xf32, #tpu.memory_space<vmem_shared>> -> memref<125x64xf32, #tpu.memory_space<vmem_shared>>
      %dma_wait3A_74 = arith.constant 0 : i32
      %dma_wait3A_75 = arith.constant 0 : i32
      %dma_wait3A_76 = tpu.memref_slice %arg7[%run_scoped3A_32, %dma_wait3A_74, %dma_wait3A_75] : memref<3x125x64xf32, #tpu.memory_space<vmem>> -> memref<1x125x64xf32, #tpu.memory_space<vmem>>
      %dma_wait3A_77 = tpu.memref_squeeze %dma_wait3A_76 : memref<1x125x64xf32, #tpu.memory_space<vmem>> -> memref<125x64xf32, #tpu.memory_space<vmem>>
      tpu.wait_dma2 semaphore(%run_scoped3A_55 : memref<!tpu.dma_semaphore, #tpu.memory_space<semaphore_mem>>) src(%dma_wait3A_77 : memref<125x64xf32, #tpu.memory_space<vmem>>) dst(%dma_wait3A_73 : memref<125x64xf32, #tpu.memory_space<vmem_shared>>)
      tpu.yield
    }) : () -> ()
    %mul3A_33 = arith.constant 625 : i32
    %mul3A_34 = arith.muli %arg1, %mul3A_33 : i32
    %add3A_35 = arith.constant 375 : i32
    %add3A_36 = arith.addi %mul3A_34, %add3A_35 : i32
    %run_scoped3A_37 = arith.constant 0 : i32
    "tpu.region"() ({
      %run_scoped3A_55 = tpu.sem_alloc : memref<!tpu.dma_semaphore, #tpu.memory_space<semaphore_mem>>
      %dma_start3A = arith.constant 0 : i32
      %dma_start3A_56 = arith.constant 0 : i32
      %dma_start3A_57 = tpu.memref_slice %arg7[%run_scoped3A_37, %dma_start3A, %dma_start3A_56] : memref<3x125x64xf32, #tpu.memory_space<vmem>> -> memref<1x125x64xf32, #tpu.memory_space<vmem>>
      %dma_start3A_58 = tpu.memref_squeeze %dma_start3A_57 : memref<1x125x64xf32, #tpu.memory_space<vmem>> -> memref<125x64xf32, #tpu.memory_space<vmem>>
      %dma_start3A_59 = arith.constant 0 : i32
      %dma_start3A_60 = tpu.memref_slice %arg8[%add3A_36, %dma_start3A_59] : memref<10000x64xf32, #tpu.memory_space<vmem_shared>> -> memref<125x64xf32, #tpu.memory_space<vmem_shared>>
      %dma_start3A_61 = arith.constant 0 : i32
      %dma_start3A_62 = tpu.memref_slice %arg8[%add3A_36, %dma_start3A_61] : memref<10000x64xf32, #tpu.memory_space<vmem_shared>> -> memref<125x64xf32, #tpu.memory_space<vmem_shared>>
      %dma_start3A_63 = arith.constant 0 : i32
      %dma_start3A_64 = arith.constant 0 : i32
      %dma_start3A_65 = tpu.memref_slice %arg7[%run_scoped3A_37, %dma_start3A_63, %dma_start3A_64] : memref<3x125x64xf32, #tpu.memory_space<vmem>> -> memref<1x125x64xf32, #tpu.memory_space<vmem>>
      %dma_start3A_66 = tpu.memref_squeeze %dma_start3A_65 : memref<1x125x64xf32, #tpu.memory_space<vmem>> -> memref<125x64xf32, #tpu.memory_space<vmem>>
      tpu.enqueue_dma source(%dma_start3A_66 : memref<125x64xf32, #tpu.memory_space<vmem>>) target(%dma_start3A_62 : memref<125x64xf32, #tpu.memory_space<vmem_shared>>) target_semaphore(%run_scoped3A_55 : memref<!tpu.dma_semaphore, #tpu.memory_space<semaphore_mem>>)
      %dma_wait3A = arith.constant 0 : i32
      %dma_wait3A_67 = arith.constant 0 : i32
      %dma_wait3A_68 = tpu.memref_slice %arg7[%run_scoped3A_37, %dma_wait3A, %dma_wait3A_67] : memref<3x125x64xf32, #tpu.memory_space<vmem>> -> memref<1x125x64xf32, #tpu.memory_space<vmem>>
      %dma_wait3A_69 = tpu.memref_squeeze %dma_wait3A_68 : memref<1x125x64xf32, #tpu.memory_space<vmem>> -> memref<125x64xf32, #tpu.memory_space<vmem>>
      %dma_wait3A_70 = arith.constant 0 : i32
      %dma_wait3A_71 = tpu.memref_slice %arg8[%add3A_36, %dma_wait3A_70] : memref<10000x64xf32, #tpu.memory_space<vmem_shared>> -> memref<125x64xf32, #tpu.memory_space<vmem_shared>>
      %dma_wait3A_72 = arith.constant 0 : i32
      %dma_wait3A_73 = tpu.memref_slice %arg8[%add3A_36, %dma_wait3A_72] : memref<10000x64xf32, #tpu.memory_space<vmem_shared>> -> memref<125x64xf32, #tpu.memory_space<vmem_shared>>
      %dma_wait3A_74 = arith.constant 0 : i32
      %dma_wait3A_75 = arith.constant 0 : i32
      %dma_wait3A_76 = tpu.memref_slice %arg7[%run_scoped3A_37, %dma_wait3A_74, %dma_wait3A_75] : memref<3x125x64xf32, #tpu.memory_space<vmem>> -> memref<1x125x64xf32, #tpu.memory_space<vmem>>
      %dma_wait3A_77 = tpu.memref_squeeze %dma_wait3A_76 : memref<1x125x64xf32, #tpu.memory_space<vmem>> -> memref<125x64xf32, #tpu.memory_space<vmem>>
      tpu.wait_dma2 semaphore(%run_scoped3A_55 : memref<!tpu.dma_semaphore, #tpu.memory_space<semaphore_mem>>) src(%dma_wait3A_77 : memref<125x64xf32, #tpu.memory_space<vmem>>) dst(%dma_wait3A_73 : memref<125x64xf32, #tpu.memory_space<vmem_shared>>)
      tpu.yield
    }) : () -> ()
    %mul3A_38 = arith.constant 625 : i32
    %mul3A_39 = arith.muli %arg1, %mul3A_38 : i32
    %add3A_40 = arith.constant 500 : i32
    %add3A_41 = arith.addi %mul3A_39, %add3A_40 : i32
    %run_scoped3A_42 = arith.constant 0 : i32
    "tpu.region"() ({
      %run_scoped3A_55 = tpu.sem_alloc : memref<!tpu.dma_semaphore, #tpu.memory_space<semaphore_mem>>
      %dma_start3A = arith.constant 0 : i32
      %dma_start3A_56 = arith.constant 0 : i32
      %dma_start3A_57 = tpu.memref_slice %arg7[%run_scoped3A_42, %dma_start3A, %dma_start3A_56] : memref<3x125x64xf32, #tpu.memory_space<vmem>> -> memref<1x125x64xf32, #tpu.memory_space<vmem>>
      %dma_start3A_58 = tpu.memref_squeeze %dma_start3A_57 : memref<1x125x64xf32, #tpu.memory_space<vmem>> -> memref<125x64xf32, #tpu.memory_space<vmem>>
      %dma_start3A_59 = arith.constant 0 : i32
      %dma_start3A_60 = tpu.memref_slice %arg8[%add3A_41, %dma_start3A_59] : memref<10000x64xf32, #tpu.memory_space<vmem_shared>> -> memref<125x64xf32, #tpu.memory_space<vmem_shared>>
      %dma_start3A_61 = arith.constant 0 : i32
      %dma_start3A_62 = tpu.memref_slice %arg8[%add3A_41, %dma_start3A_61] : memref<10000x64xf32, #tpu.memory_space<vmem_shared>> -> memref<125x64xf32, #tpu.memory_space<vmem_shared>>
      %dma_start3A_63 = arith.constant 0 : i32
      %dma_start3A_64 = arith.constant 0 : i32
      %dma_start3A_65 = tpu.memref_slice %arg7[%run_scoped3A_42, %dma_start3A_63, %dma_start3A_64] : memref<3x125x64xf32, #tpu.memory_space<vmem>> -> memref<1x125x64xf32, #tpu.memory_space<vmem>>
      %dma_start3A_66 = tpu.memref_squeeze %dma_start3A_65 : memref<1x125x64xf32, #tpu.memory_space<vmem>> -> memref<125x64xf32, #tpu.memory_space<vmem>>
      tpu.enqueue_dma source(%dma_start3A_66 : memref<125x64xf32, #tpu.memory_space<vmem>>) target(%dma_start3A_62 : memref<125x64xf32, #tpu.memory_space<vmem_shared>>) target_semaphore(%run_scoped3A_55 : memref<!tpu.dma_semaphore, #tpu.memory_space<semaphore_mem>>)
      %dma_wait3A = arith.constant 0 : i32
      %dma_wait3A_67 = arith.constant 0 : i32
      %dma_wait3A_68 = tpu.memref_slice %arg7[%run_scoped3A_42, %dma_wait3A, %dma_wait3A_67] : memref<3x125x64xf32, #tpu.memory_space<vmem>> -> memref<1x125x64xf32, #tpu.memory_space<vmem>>
      %dma_wait3A_69 = tpu.memref_squeeze %dma_wait3A_68 : memref<1x125x64xf32, #tpu.memory_space<vmem>> -> memref<125x64xf32, #tpu.memory_space<vmem>>
      %dma_wait3A_70 = arith.constant 0 : i32
      %dma_wait3A_71 = tpu.memref_slice %arg8[%add3A_41, %dma_wait3A_70] : memref<10000x64xf32, #tpu.memory_space<vmem_shared>> -> memref<125x64xf32, #tpu.memory_space<vmem_shared>>
      %dma_wait3A_72 = arith.constant 0 : i32
      %dma_wait3A_73 = tpu.memref_slice %arg8[%add3A_41, %dma_wait3A_72] : memref<10000x64xf32, #tpu.memory_space<vmem_shared>> -> memref<125x64xf32, #tpu.memory_space<vmem_shared>>
      %dma_wait3A_74 = arith.constant 0 : i32
      %dma_wait3A_75 = arith.constant 0 : i32
      %dma_wait3A_76 = tpu.memref_slice %arg7[%run_scoped3A_42, %dma_wait3A_74, %dma_wait3A_75] : memref<3x125x64xf32, #tpu.memory_space<vmem>> -> memref<1x125x64xf32, #tpu.memory_space<vmem>>
      %dma_wait3A_77 = tpu.memref_squeeze %dma_wait3A_76 : memref<1x125x64xf32, #tpu.memory_space<vmem>> -> memref<125x64xf32, #tpu.memory_space<vmem>>
      tpu.wait_dma2 semaphore(%run_scoped3A_55 : memref<!tpu.dma_semaphore, #tpu.memory_space<semaphore_mem>>) src(%dma_wait3A_77 : memref<125x64xf32, #tpu.memory_space<vmem>>) dst(%dma_wait3A_73 : memref<125x64xf32, #tpu.memory_space<vmem_shared>>)
      tpu.yield
    }) : () -> ()
    %barrier3A = arith.constant 0 : index
    tpu.barrier barrier_id(%barrier3A)
    %scan3A_43 = arith.constant 0 : i32
    %scan3A_44 = arith.constant 0 : i32
    %scan3A_45 = arith.constant 28 : i32
    %scan3A_46 = arith.addi %scan3A_44, %scan3A_45 : i32
    %scan3A_47 = arith.constant 1 : i32
    %scan3A_48 = scf.for %scan3A_55 = %scan3A_44 to %scan3A_46 step %scan3A_47 iter_args(%scan3A_56 = %scan3A_43) -> (i32)  : i32 {
      %mul3A_57 = arith.constant 3 : i32
      %mul3A_58 = arith.muli %mul3A_57, %scan3A_55 : i32
      %add3A_59 = arith.constant 0 : i32
      %add3A_60 = arith.addi %mul3A_58, %add3A_59 : i32
      %ge3A = arith.constant 3 : i32
      %ge3A_61 = arith.cmpi sge, %add3A_60, %ge3A : i32
      %sub3A = arith.constant 3 : i32
      %sub3A_62 = arith.subi %add3A_60, %sub3A : i32
      %lt3A = arith.constant 80 : i32
      %lt3A_63 = arith.cmpi slt, %sub3A_62, %lt3A : i32
      %and3A = arith.andi %ge3A_61, %lt3A_63 : i1
      %convert_element_type3A = arith.extui %and3A : i1 to i32
      %cond3A = arith.constant 0 : i32
      %cond3A_64 = arith.cmpi ne, %convert_element_type3A, %cond3A : i32
      scf.if %cond3A_64 {
        %sub3A_139 = arith.constant 3 : i32
        %sub3A_140 = arith.subi %add3A_60, %sub3A_139 : i32
        %dma_wait3A = arith.constant 0 : i32
        %dma_wait3A_141 = arith.constant 0 : i32
        %dma_wait3A_142 = arith.constant 0 : i32
        %dma_wait3A_143 = tpu.memref_slice %arg7[%dma_wait3A, %dma_wait3A_141, %dma_wait3A_142] : memref<3x125x64xf32, #tpu.memory_space<vmem>> -> memref<1x125x64xf32, #tpu.memory_space<vmem>>
        %dma_wait3A_144 = tpu.memref_squeeze %dma_wait3A_143 : memref<1x125x64xf32, #tpu.memory_space<vmem>> -> memref<125x64xf32, #tpu.memory_space<vmem>>
        %dma_wait3A_145 = arith.constant 0 : i32
        %dma_wait3A_146 = tpu.memref_slice %arg6[%sub3A_140, %dma_wait3A_145] : memref<80x125xi32, #tpu.memory_space<vmem>> -> memref<1x125xi32, #tpu.memory_space<vmem>>
        %dma_wait3A_147 = tpu.memref_squeeze %dma_wait3A_146 : memref<1x125xi32, #tpu.memory_space<vmem>> -> memref<125xi32, #tpu.memory_space<vmem>>
        %dma_wait3A_148 = arith.constant 0 : i32
        %dma_wait3A_149 = arith.constant 0 : i32
        %dma_wait3A_150 = tpu.memref_slice %arg8[%dma_wait3A_148, %dma_wait3A_149] : memref<10000x64xf32, #tpu.memory_space<vmem_shared>> -> memref<10000x64xf32, #tpu.memory_space<vmem_shared>>
        tpu.wait_indirect_dma semaphore(%arg13 : memref<!tpu.dma_semaphore, #tpu.memory_space<semaphore_mem>>) src(%dma_wait3A_144 : memref<125x64xf32, #tpu.memory_space<vmem>>) dst(%dma_wait3A_150 : memref<10000x64xf32, #tpu.memory_space<vmem_shared>>)
      } else {
      }
      %lt3A_65 = arith.constant 80 : i32
      %lt3A_66 = arith.cmpi slt, %add3A_60, %lt3A_65 : i32
      %convert_element_type3A_67 = arith.extui %lt3A_66 : i1 to i32
      %cond3A_68 = arith.constant 0 : i32
      %cond3A_69 = arith.cmpi ne, %convert_element_type3A_67, %cond3A_68 : i32
      scf.if %cond3A_69 {
        %dma_start3A = arith.constant 0 : i32
        %dma_start3A_139 = arith.constant 0 : i32
        %dma_start3A_140 = arith.constant 0 : i32
        %dma_start3A_141 = tpu.memref_slice %arg7[%dma_start3A, %dma_start3A_139, %dma_start3A_140] : memref<3x125x64xf32, #tpu.memory_space<vmem>> -> memref<1x125x64xf32, #tpu.memory_space<vmem>>
        %dma_start3A_142 = tpu.memref_squeeze %dma_start3A_141 : memref<1x125x64xf32, #tpu.memory_space<vmem>> -> memref<125x64xf32, #tpu.memory_space<vmem>>
        %dma_start3A_143 = arith.constant 0 : i32
        %dma_start3A_144 = tpu.memref_slice %arg5[%add3A_60, %dma_start3A_143] : memref<80x125xi32, #tpu.memory_space<vmem>> -> memref<1x125xi32, #tpu.memory_space<vmem>>
        %dma_start3A_145 = tpu.memref_squeeze %dma_start3A_144 : memref<1x125xi32, #tpu.memory_space<vmem>> -> memref<125xi32, #tpu.memory_space<vmem>>
        %dma_start3A_146 = arith.constant 0 : i32
        %dma_start3A_147 = arith.constant 0 : i32
        %dma_start3A_148 = tpu.memref_slice %arg9[%dma_start3A_146, %dma_start3A_147] : memref<10000x64xf32, #tpu.memory_space<vmem_shared>> -> memref<10000x64xf32, #tpu.memory_space<vmem_shared>>
        tpu.enqueue_indirect_dma source(%dma_start3A_148 : memref<10000x64xf32, #tpu.memory_space<vmem_shared>>) target(%dma_start3A_142 : memref<125x64xf32, #tpu.memory_space<vmem>>) offsets(%dma_start3A_145 : memref<125xi32, #tpu.memory_space<vmem>>) semaphore(%arg10 : memref<!tpu.dma_semaphore, #tpu.memory_space<semaphore_mem>>)
      } else {
      }
      %ge3A_70 = arith.constant 1 : i32
      %ge3A_71 = arith.cmpi sge, %add3A_60, %ge3A_70 : i32
      %sub3A_72 = arith.constant 1 : i32
      %sub3A_73 = arith.subi %add3A_60, %sub3A_72 : i32
      %lt3A_74 = arith.constant 80 : i32
      %lt3A_75 = arith.cmpi slt, %sub3A_73, %lt3A_74 : i32
      %and3A_76 = arith.andi %ge3A_71, %lt3A_75 : i1
      %convert_element_type3A_77 = arith.extui %and3A_76 : i1 to i32
      %cond3A_78 = arith.constant 0 : i32
      %cond3A_79 = arith.cmpi ne, %convert_element_type3A_77, %cond3A_78 : i32
      scf.if %cond3A_79 {
        %sub3A_139 = arith.constant 1 : i32
        %sub3A_140 = arith.subi %add3A_60, %sub3A_139 : i32
        %dma_wait3A = arith.constant 2 : i32
        %dma_wait3A_141 = arith.constant 0 : i32
        %dma_wait3A_142 = arith.constant 0 : i32
        %dma_wait3A_143 = tpu.memref_slice %arg7[%dma_wait3A, %dma_wait3A_141, %dma_wait3A_142] : memref<3x125x64xf32, #tpu.memory_space<vmem>> -> memref<1x125x64xf32, #tpu.memory_space<vmem>>
        %dma_wait3A_144 = tpu.memref_squeeze %dma_wait3A_143 : memref<1x125x64xf32, #tpu.memory_space<vmem>> -> memref<125x64xf32, #tpu.memory_space<vmem>>
        %dma_wait3A_145 = arith.constant 0 : i32
        %dma_wait3A_146 = tpu.memref_slice %arg5[%sub3A_140, %dma_wait3A_145] : memref<80x125xi32, #tpu.memory_space<vmem>> -> memref<1x125xi32, #tpu.memory_space<vmem>>
        %dma_wait3A_147 = tpu.memref_squeeze %dma_wait3A_146 : memref<1x125xi32, #tpu.memory_space<vmem>> -> memref<125xi32, #tpu.memory_space<vmem>>
        %dma_wait3A_148 = arith.constant 0 : i32
        %dma_wait3A_149 = arith.constant 0 : i32
        %dma_wait3A_150 = tpu.memref_slice %arg9[%dma_wait3A_148, %dma_wait3A_149] : memref<10000x64xf32, #tpu.memory_space<vmem_shared>> -> memref<10000x64xf32, #tpu.memory_space<vmem_shared>>
        tpu.wait_indirect_dma semaphore(%arg12 : memref<!tpu.dma_semaphore, #tpu.memory_space<semaphore_mem>>) src(%dma_wait3A_150 : memref<10000x64xf32, #tpu.memory_space<vmem_shared>>) dst(%dma_wait3A_144 : memref<125x64xf32, #tpu.memory_space<vmem>>)
        %sub3A_151 = arith.constant 1 : i32
        %sub3A_152 = arith.subi %add3A_60, %sub3A_151 : i32
        %dma_start3A = arith.constant 2 : i32
        %dma_start3A_153 = arith.constant 0 : i32
        %dma_start3A_154 = arith.constant 0 : i32
        %dma_start3A_155 = tpu.memref_slice %arg7[%dma_start3A, %dma_start3A_153, %dma_start3A_154] : memref<3x125x64xf32, #tpu.memory_space<vmem>> -> memref<1x125x64xf32, #tpu.memory_space<vmem>>
        %dma_start3A_156 = tpu.memref_squeeze %dma_start3A_155 : memref<1x125x64xf32, #tpu.memory_space<vmem>> -> memref<125x64xf32, #tpu.memory_space<vmem>>
        %dma_start3A_157 = arith.constant 0 : i32
        %dma_start3A_158 = tpu.memref_slice %arg6[%sub3A_152, %dma_start3A_157] : memref<80x125xi32, #tpu.memory_space<vmem>> -> memref<1x125xi32, #tpu.memory_space<vmem>>
        %dma_start3A_159 = tpu.memref_squeeze %dma_start3A_158 : memref<1x125xi32, #tpu.memory_space<vmem>> -> memref<125xi32, #tpu.memory_space<vmem>>
        %dma_start3A_160 = arith.constant 0 : i32
        %dma_start3A_161 = arith.constant 0 : i32
        %dma_start3A_162 = tpu.memref_slice %arg8[%dma_start3A_160, %dma_start3A_161] : memref<10000x64xf32, #tpu.memory_space<vmem_shared>> -> memref<10000x64xf32, #tpu.memory_space<vmem_shared>>
        tpu.enqueue_indirect_dma source(%dma_start3A_156 : memref<125x64xf32, #tpu.memory_space<vmem>>) target(%dma_start3A_162 : memref<10000x64xf32, #tpu.memory_space<vmem_shared>>) offsets(%dma_start3A_159 : memref<125xi32, #tpu.memory_space<vmem>>) semaphore(%arg15 : memref<!tpu.dma_semaphore, #tpu.memory_space<semaphore_mem>>) {add = true}
      } else {
      }
      %mul3A_80 = arith.constant 3 : i32
      %mul3A_81 = arith.muli %mul3A_80, %scan3A_55 : i32
      %add3A_82 = arith.constant 1 : i32
      %add3A_83 = arith.addi %mul3A_81, %add3A_82 : i32
      %ge3A_84 = arith.constant 3 : i32
      %ge3A_85 = arith.cmpi sge, %add3A_83, %ge3A_84 : i32
      %sub3A_86 = arith.constant 3 : i32
      %sub3A_87 = arith.subi %add3A_83, %sub3A_86 : i32
      %lt3A_88 = arith.constant 80 : i32
      %lt3A_89 = arith.cmpi slt, %sub3A_87, %lt3A_88 : i32
      %and3A_90 = arith.andi %ge3A_85, %lt3A_89 : i1
      %convert_element_type3A_91 = arith.extui %and3A_90 : i1 to i32
      %cond3A_92 = arith.constant 0 : i32
      %cond3A_93 = arith.cmpi ne, %convert_element_type3A_91, %cond3A_92 : i32
      scf.if %cond3A_93 {
        %sub3A_139 = arith.constant 3 : i32
        %sub3A_140 = arith.subi %add3A_83, %sub3A_139 : i32
        %dma_wait3A = arith.constant 1 : i32
        %dma_wait3A_141 = arith.constant 0 : i32
        %dma_wait3A_142 = arith.constant 0 : i32
        %dma_wait3A_143 = tpu.memref_slice %arg7[%dma_wait3A, %dma_wait3A_141, %dma_wait3A_142] : memref<3x125x64xf32, #tpu.memory_space<vmem>> -> memref<1x125x64xf32, #tpu.memory_space<vmem>>
        %dma_wait3A_144 = tpu.memref_squeeze %dma_wait3A_143 : memref<1x125x64xf32, #tpu.memory_space<vmem>> -> memref<125x64xf32, #tpu.memory_space<vmem>>
        %dma_wait3A_145 = arith.constant 0 : i32
        %dma_wait3A_146 = tpu.memref_slice %arg6[%sub3A_140, %dma_wait3A_145] : memref<80x125xi32, #tpu.memory_space<vmem>> -> memref<1x125xi32, #tpu.memory_space<vmem>>
        %dma_wait3A_147 = tpu.memref_squeeze %dma_wait3A_146 : memref<1x125xi32, #tpu.memory_space<vmem>> -> memref<125xi32, #tpu.memory_space<vmem>>
        %dma_wait3A_148 = arith.constant 0 : i32
        %dma_wait3A_149 = arith.constant 0 : i32
        %dma_wait3A_150 = tpu.memref_slice %arg8[%dma_wait3A_148, %dma_wait3A_149] : memref<10000x64xf32, #tpu.memory_space<vmem_shared>> -> memref<10000x64xf32, #tpu.memory_space<vmem_shared>>
        tpu.wait_indirect_dma semaphore(%arg14 : memref<!tpu.dma_semaphore, #tpu.memory_space<semaphore_mem>>) src(%dma_wait3A_144 : memref<125x64xf32, #tpu.memory_space<vmem>>) dst(%dma_wait3A_150 : memref<10000x64xf32, #tpu.memory_space<vmem_shared>>)
      } else {
      }
      %lt3A_94 = arith.constant 80 : i32
      %lt3A_95 = arith.cmpi slt, %add3A_83, %lt3A_94 : i32
      %convert_element_type3A_96 = arith.extui %lt3A_95 : i1 to i32
      %cond3A_97 = arith.constant 0 : i32
      %cond3A_98 = arith.cmpi ne, %convert_element_type3A_96, %cond3A_97 : i32
      scf.if %cond3A_98 {
        %dma_start3A = arith.constant 1 : i32
        %dma_start3A_139 = arith.constant 0 : i32
        %dma_start3A_140 = arith.constant 0 : i32
        %dma_start3A_141 = tpu.memref_slice %arg7[%dma_start3A, %dma_start3A_139, %dma_start3A_140] : memref<3x125x64xf32, #tpu.memory_space<vmem>> -> memref<1x125x64xf32, #tpu.memory_space<vmem>>
        %dma_start3A_142 = tpu.memref_squeeze %dma_start3A_141 : memref<1x125x64xf32, #tpu.memory_space<vmem>> -> memref<125x64xf32, #tpu.memory_space<vmem>>
        %dma_start3A_143 = arith.constant 0 : i32
        %dma_start3A_144 = tpu.memref_slice %arg5[%add3A_83, %dma_start3A_143] : memref<80x125xi32, #tpu.memory_space<vmem>> -> memref<1x125xi32, #tpu.memory_space<vmem>>
        %dma_start3A_145 = tpu.memref_squeeze %dma_start3A_144 : memref<1x125xi32, #tpu.memory_space<vmem>> -> memref<125xi32, #tpu.memory_space<vmem>>
        %dma_start3A_146 = arith.constant 0 : i32
        %dma_start3A_147 = arith.constant 0 : i32
        %dma_start3A_148 = tpu.memref_slice %arg9[%dma_start3A_146, %dma_start3A_147] : memref<10000x64xf32, #tpu.memory_space<vmem_shared>> -> memref<10000x64xf32, #tpu.memory_space<vmem_shared>>
        tpu.enqueue_indirect_dma source(%dma_start3A_148 : memref<10000x64xf32, #tpu.memory_space<vmem_shared>>) target(%dma_start3A_142 : memref<125x64xf32, #tpu.memory_space<vmem>>) offsets(%dma_start3A_145 : memref<125xi32, #tpu.memory_space<vmem>>) semaphore(%arg11 : memref<!tpu.dma_semaphore, #tpu.memory_space<semaphore_mem>>)
      } else {
      }
      %ge3A_99 = arith.constant 1 : i32
      %ge3A_100 = arith.cmpi sge, %add3A_83, %ge3A_99 : i32
      %sub3A_101 = arith.constant 1 : i32
      %sub3A_102 = arith.subi %add3A_83, %sub3A_101 : i32
      %lt3A_103 = arith.constant 80 : i32
      %lt3A_104 = arith.cmpi slt, %sub3A_102, %lt3A_103 : i32
      %and3A_105 = arith.andi %ge3A_100, %lt3A_104 : i1
      %convert_element_type3A_106 = arith.extui %and3A_105 : i1 to i32
      %cond3A_107 = arith.constant 0 : i32
      %cond3A_108 = arith.cmpi ne, %convert_element_type3A_106, %cond3A_107 : i32
      scf.if %cond3A_108 {
        %sub3A_139 = arith.constant 1 : i32
        %sub3A_140 = arith.subi %add3A_83, %sub3A_139 : i32
        %dma_wait3A = arith.constant 0 : i32
        %dma_wait3A_141 = arith.constant 0 : i32
        %dma_wait3A_142 = arith.constant 0 : i32
        %dma_wait3A_143 = tpu.memref_slice %arg7[%dma_wait3A, %dma_wait3A_141, %dma_wait3A_142] : memref<3x125x64xf32, #tpu.memory_space<vmem>> -> memref<1x125x64xf32, #tpu.memory_space<vmem>>
        %dma_wait3A_144 = tpu.memref_squeeze %dma_wait3A_143 : memref<1x125x64xf32, #tpu.memory_space<vmem>> -> memref<125x64xf32, #tpu.memory_space<vmem>>
        %dma_wait3A_145 = arith.constant 0 : i32
        %dma_wait3A_146 = tpu.memref_slice %arg5[%sub3A_140, %dma_wait3A_145] : memref<80x125xi32, #tpu.memory_space<vmem>> -> memref<1x125xi32, #tpu.memory_space<vmem>>
        %dma_wait3A_147 = tpu.memref_squeeze %dma_wait3A_146 : memref<1x125xi32, #tpu.memory_space<vmem>> -> memref<125xi32, #tpu.memory_space<vmem>>
        %dma_wait3A_148 = arith.constant 0 : i32
        %dma_wait3A_149 = arith.constant 0 : i32
        %dma_wait3A_150 = tpu.memref_slice %arg9[%dma_wait3A_148, %dma_wait3A_149] : memref<10000x64xf32, #tpu.memory_space<vmem_shared>> -> memref<10000x64xf32, #tpu.memory_space<vmem_shared>>
        tpu.wait_indirect_dma semaphore(%arg10 : memref<!tpu.dma_semaphore, #tpu.memory_space<semaphore_mem>>) src(%dma_wait3A_150 : memref<10000x64xf32, #tpu.memory_space<vmem_shared>>) dst(%dma_wait3A_144 : memref<125x64xf32, #tpu.memory_space<vmem>>)
        %sub3A_151 = arith.constant 1 : i32
        %sub3A_152 = arith.subi %add3A_83, %sub3A_151 : i32
        %dma_start3A = arith.constant 0 : i32
        %dma_start3A_153 = arith.constant 0 : i32
        %dma_start3A_154 = arith.constant 0 : i32
        %dma_start3A_155 = tpu.memref_slice %arg7[%dma_start3A, %dma_start3A_153, %dma_start3A_154] : memref<3x125x64xf32, #tpu.memory_space<vmem>> -> memref<1x125x64xf32, #tpu.memory_space<vmem>>
        %dma_start3A_156 = tpu.memref_squeeze %dma_start3A_155 : memref<1x125x64xf32, #tpu.memory_space<vmem>> -> memref<125x64xf32, #tpu.memory_space<vmem>>
        %dma_start3A_157 = arith.constant 0 : i32
        %dma_start3A_158 = tpu.memref_slice %arg6[%sub3A_152, %dma_start3A_157] : memref<80x125xi32, #tpu.memory_space<vmem>> -> memref<1x125xi32, #tpu.memory_space<vmem>>
        %dma_start3A_159 = tpu.memref_squeeze %dma_start3A_158 : memref<1x125xi32, #tpu.memory_space<vmem>> -> memref<125xi32, #tpu.memory_space<vmem>>
        %dma_start3A_160 = arith.constant 0 : i32
        %dma_start3A_161 = arith.constant 0 : i32
        %dma_start3A_162 = tpu.memref_slice %arg8[%dma_start3A_160, %dma_start3A_161] : memref<10000x64xf32, #tpu.memory_space<vmem_shared>> -> memref<10000x64xf32, #tpu.memory_space<vmem_shared>>
        tpu.enqueue_indirect_dma source(%dma_start3A_156 : memref<125x64xf32, #tpu.memory_space<vmem>>) target(%dma_start3A_162 : memref<10000x64xf32, #tpu.memory_space<vmem_shared>>) offsets(%dma_start3A_159 : memref<125xi32, #tpu.memory_space<vmem>>) semaphore(%arg13 : memref<!tpu.dma_semaphore, #tpu.memory_space<semaphore_mem>>) {add = true}
      } else {
      }
      %mul3A_109 = arith.constant 3 : i32
      %mul3A_110 = arith.muli %mul3A_109, %scan3A_55 : i32
      %add3A_111 = arith.constant 2 : i32
      %add3A_112 = arith.addi %mul3A_110, %add3A_111 : i32
      %ge3A_113 = arith.constant 3 : i32
      %ge3A_114 = arith.cmpi sge, %add3A_112, %ge3A_113 : i32
      %sub3A_115 = arith.constant 3 : i32
      %sub3A_116 = arith.subi %add3A_112, %sub3A_115 : i32
      %lt3A_117 = arith.constant 80 : i32
      %lt3A_118 = arith.cmpi slt, %sub3A_116, %lt3A_117 : i32
      %and3A_119 = arith.andi %ge3A_114, %lt3A_118 : i1
      %convert_element_type3A_120 = arith.extui %and3A_119 : i1 to i32
      %cond3A_121 = arith.constant 0 : i32
      %cond3A_122 = arith.cmpi ne, %convert_element_type3A_120, %cond3A_121 : i32
      scf.if %cond3A_122 {
        %sub3A_139 = arith.constant 3 : i32
        %sub3A_140 = arith.subi %add3A_112, %sub3A_139 : i32
        %dma_wait3A = arith.constant 2 : i32
        %dma_wait3A_141 = arith.constant 0 : i32
        %dma_wait3A_142 = arith.constant 0 : i32
        %dma_wait3A_143 = tpu.memref_slice %arg7[%dma_wait3A, %dma_wait3A_141, %dma_wait3A_142] : memref<3x125x64xf32, #tpu.memory_space<vmem>> -> memref<1x125x64xf32, #tpu.memory_space<vmem>>
        %dma_wait3A_144 = tpu.memref_squeeze %dma_wait3A_143 : memref<1x125x64xf32, #tpu.memory_space<vmem>> -> memref<125x64xf32, #tpu.memory_space<vmem>>
        %dma_wait3A_145 = arith.constant 0 : i32
        %dma_wait3A_146 = tpu.memref_slice %arg6[%sub3A_140, %dma_wait3A_145] : memref<80x125xi32, #tpu.memory_space<vmem>> -> memref<1x125xi32, #tpu.memory_space<vmem>>
        %dma_wait3A_147 = tpu.memref_squeeze %dma_wait3A_146 : memref<1x125xi32, #tpu.memory_space<vmem>> -> memref<125xi32, #tpu.memory_space<vmem>>
        %dma_wait3A_148 = arith.constant 0 : i32
        %dma_wait3A_149 = arith.constant 0 : i32
        %dma_wait3A_150 = tpu.memref_slice %arg8[%dma_wait3A_148, %dma_wait3A_149] : memref<10000x64xf32, #tpu.memory_space<vmem_shared>> -> memref<10000x64xf32, #tpu.memory_space<vmem_shared>>
        tpu.wait_indirect_dma semaphore(%arg15 : memref<!tpu.dma_semaphore, #tpu.memory_space<semaphore_mem>>) src(%dma_wait3A_144 : memref<125x64xf32, #tpu.memory_space<vmem>>) dst(%dma_wait3A_150 : memref<10000x64xf32, #tpu.memory_space<vmem_shared>>)
      } else {
      }
      %lt3A_123 = arith.constant 80 : i32
      %lt3A_124 = arith.cmpi slt, %add3A_112, %lt3A_123 : i32
      %convert_element_type3A_125 = arith.extui %lt3A_124 : i1 to i32
      %cond3A_126 = arith.constant 0 : i32
      %cond3A_127 = arith.cmpi ne, %convert_element_type3A_125, %cond3A_126 : i32
      scf.if %cond3A_127 {
        %dma_start3A = arith.constant 2 : i32
        %dma_start3A_139 = arith.constant 0 : i32
        %dma_start3A_140 = arith.constant 0 : i32
        %dma_start3A_141 = tpu.memref_slice %arg7[%dma_start3A, %dma_start3A_139, %dma_start3A_140] : memref<3x125x64xf32, #tpu.memory_space<vmem>> -> memref<1x125x64xf32, #tpu.memory_space<vmem>>
        %dma_start3A_142 = tpu.memref_squeeze %dma_start3A_141 : memref<1x125x64xf32, #tpu.memory_space<vmem>> -> memref<125x64xf32, #tpu.memory_space<vmem>>
        %dma_start3A_143 = arith.constant 0 : i32
        %dma_start3A_144 = tpu.memref_slice %arg5[%add3A_112, %dma_start3A_143] : memref<80x125xi32, #tpu.memory_space<vmem>> -> memref<1x125xi32, #tpu.memory_space<vmem>>
        %dma_start3A_145 = tpu.memref_squeeze %dma_start3A_144 : memref<1x125xi32, #tpu.memory_space<vmem>> -> memref<125xi32, #tpu.memory_space<vmem>>
        %dma_start3A_146 = arith.constant 0 : i32
        %dma_start3A_147 = arith.constant 0 : i32
        %dma_start3A_148 = tpu.memref_slice %arg9[%dma_start3A_146, %dma_start3A_147] : memref<10000x64xf32, #tpu.memory_space<vmem_shared>> -> memref<10000x64xf32, #tpu.memory_space<vmem_shared>>
        tpu.enqueue_indirect_dma source(%dma_start3A_148 : memref<10000x64xf32, #tpu.memory_space<vmem_shared>>) target(%dma_start3A_142 : memref<125x64xf32, #tpu.memory_space<vmem>>) offsets(%dma_start3A_145 : memref<125xi32, #tpu.memory_space<vmem>>) semaphore(%arg12 : memref<!tpu.dma_semaphore, #tpu.memory_space<semaphore_mem>>)
      } else {
      }
      %ge3A_128 = arith.constant 1 : i32
      %ge3A_129 = arith.cmpi sge, %add3A_112, %ge3A_128 : i32
      %sub3A_130 = arith.constant 1 : i32
      %sub3A_131 = arith.subi %add3A_112, %sub3A_130 : i32
      %lt3A_132 = arith.constant 80 : i32
      %lt3A_133 = arith.cmpi slt, %sub3A_131, %lt3A_132 : i32
      %and3A_134 = arith.andi %ge3A_129, %lt3A_133 : i1
      %convert_element_type3A_135 = arith.extui %and3A_134 : i1 to i32
      %cond3A_136 = arith.constant 0 : i32
      %cond3A_137 = arith.cmpi ne, %convert_element_type3A_135, %cond3A_136 : i32
      scf.if %cond3A_137 {
        %sub3A_139 = arith.constant 1 : i32
        %sub3A_140 = arith.subi %add3A_112, %sub3A_139 : i32
        %dma_wait3A = arith.constant 1 : i32
        %dma_wait3A_141 = arith.constant 0 : i32
        %dma_wait3A_142 = arith.constant 0 : i32
        %dma_wait3A_143 = tpu.memref_slice %arg7[%dma_wait3A, %dma_wait3A_141, %dma_wait3A_142] : memref<3x125x64xf32, #tpu.memory_space<vmem>> -> memref<1x125x64xf32, #tpu.memory_space<vmem>>
        %dma_wait3A_144 = tpu.memref_squeeze %dma_wait3A_143 : memref<1x125x64xf32, #tpu.memory_space<vmem>> -> memref<125x64xf32, #tpu.memory_space<vmem>>
        %dma_wait3A_145 = arith.constant 0 : i32
        %dma_wait3A_146 = tpu.memref_slice %arg5[%sub3A_140, %dma_wait3A_145] : memref<80x125xi32, #tpu.memory_space<vmem>> -> memref<1x125xi32, #tpu.memory_space<vmem>>
        %dma_wait3A_147 = tpu.memref_squeeze %dma_wait3A_146 : memref<1x125xi32, #tpu.memory_space<vmem>> -> memref<125xi32, #tpu.memory_space<vmem>>
        %dma_wait3A_148 = arith.constant 0 : i32
        %dma_wait3A_149 = arith.constant 0 : i32
        %dma_wait3A_150 = tpu.memref_slice %arg9[%dma_wait3A_148, %dma_wait3A_149] : memref<10000x64xf32, #tpu.memory_space<vmem_shared>> -> memref<10000x64xf32, #tpu.memory_space<vmem_shared>>
        tpu.wait_indirect_dma semaphore(%arg11 : memref<!tpu.dma_semaphore, #tpu.memory_space<semaphore_mem>>) src(%dma_wait3A_150 : memref<10000x64xf32, #tpu.memory_space<vmem_shared>>) dst(%dma_wait3A_144 : memref<125x64xf32, #tpu.memory_space<vmem>>)
        %sub3A_151 = arith.constant 1 : i32
        %sub3A_152 = arith.subi %add3A_112, %sub3A_151 : i32
        %dma_start3A = arith.constant 1 : i32
        %dma_start3A_153 = arith.constant 0 : i32
        %dma_start3A_154 = arith.constant 0 : i32
        %dma_start3A_155 = tpu.memref_slice %arg7[%dma_start3A, %dma_start3A_153, %dma_start3A_154] : memref<3x125x64xf32, #tpu.memory_space<vmem>> -> memref<1x125x64xf32, #tpu.memory_space<vmem>>
        %dma_start3A_156 = tpu.memref_squeeze %dma_start3A_155 : memref<1x125x64xf32, #tpu.memory_space<vmem>> -> memref<125x64xf32, #tpu.memory_space<vmem>>
        %dma_start3A_157 = arith.constant 0 : i32
        %dma_start3A_158 = tpu.memref_slice %arg6[%sub3A_152, %dma_start3A_157] : memref<80x125xi32, #tpu.memory_space<vmem>> -> memref<1x125xi32, #tpu.memory_space<vmem>>
        %dma_start3A_159 = tpu.memref_squeeze %dma_start3A_158 : memref<1x125xi32, #tpu.memory_space<vmem>> -> memref<125xi32, #tpu.memory_space<vmem>>
        %dma_start3A_160 = arith.constant 0 : i32
        %dma_start3A_161 = arith.constant 0 : i32
        %dma_start3A_162 = tpu.memref_slice %arg8[%dma_start3A_160, %dma_start3A_161] : memref<10000x64xf32, #tpu.memory_space<vmem_shared>> -> memref<10000x64xf32, #tpu.memory_space<vmem_shared>>
        tpu.enqueue_indirect_dma source(%dma_start3A_156 : memref<125x64xf32, #tpu.memory_space<vmem>>) target(%dma_start3A_162 : memref<10000x64xf32, #tpu.memory_space<vmem_shared>>) offsets(%dma_start3A_159 : memref<125xi32, #tpu.memory_space<vmem>>) semaphore(%arg14 : memref<!tpu.dma_semaphore, #tpu.memory_space<semaphore_mem>>) {add = true}
      } else {
      }
      %scan3A_138 = arith.constant 0 : i32
      scf.yield %scan3A_138 : i32
    }
    %scan3A_49 = arith.constant 28 : i32
    %barrier3A_50 = arith.constant 0 : index
    tpu.barrier barrier_id(%barrier3A_50)
    %mul3A_51 = arith.constant 625 : i32
    %mul3A_52 = arith.muli %arg1, %mul3A_51 : i32
    %mul3A_53 = arith.constant 625 : i32
    %mul3A_54 = arith.muli %arg1, %mul3A_53 : i32
    "tpu.region"() ({
      %run_scoped3A_55 = tpu.sem_alloc : memref<!tpu.dma_semaphore, #tpu.memory_space<semaphore_mem>>
      %dma_start3A = arith.constant 0 : i32
      %dma_start3A_56 = tpu.memref_slice %arg4[%arg0, %mul3A_54, %dma_start3A] : memref<2x10000x64xf32, #tpu.memory_space<hbm>> -> memref<1x625x64xf32, #tpu.memory_space<hbm>>
      %dma_start3A_57 = tpu.memref_squeeze %dma_start3A_56 : memref<1x625x64xf32, #tpu.memory_space<hbm>> -> memref<625x64xf32, #tpu.memory_space<hbm>>
      %dma_start3A_58 = arith.constant 0 : i32
      %dma_start3A_59 = tpu.memref_slice %arg8[%mul3A_52, %dma_start3A_58] : memref<10000x64xf32, #tpu.memory_space<vmem_shared>> -> memref<625x64xf32, #tpu.memory_space<vmem_shared>>
      tpu.enqueue_dma source(%dma_start3A_59 : memref<625x64xf32, #tpu.memory_space<vmem_shared>>) target(%dma_start3A_57 : memref<625x64xf32, #tpu.memory_space<hbm>>) target_semaphore(%run_scoped3A_55 : memref<!tpu.dma_semaphore, #tpu.memory_space<semaphore_mem>>)
      %dma_wait3A = arith.constant 0 : i32
      %dma_wait3A_60 = tpu.memref_slice %arg4[%arg0, %mul3A_54, %dma_wait3A] : memref<2x10000x64xf32, #tpu.memory_space<hbm>> -> memref<1x625x64xf32, #tpu.memory_space<hbm>>
      %dma_wait3A_61 = tpu.memref_squeeze %dma_wait3A_60 : memref<1x625x64xf32, #tpu.memory_space<hbm>> -> memref<625x64xf32, #tpu.memory_space<hbm>>
      %dma_wait3A_62 = arith.constant 0 : i32
      %dma_wait3A_63 = tpu.memref_slice %arg8[%mul3A_52, %dma_wait3A_62] : memref<10000x64xf32, #tpu.memory_space<vmem_shared>> -> memref<625x64xf32, #tpu.memory_space<vmem_shared>>
      tpu.wait_dma2 semaphore(%run_scoped3A_55 : memref<!tpu.dma_semaphore, #tpu.memory_space<semaphore_mem>>) src(%dma_wait3A_63 : memref<625x64xf32, #tpu.memory_space<vmem_shared>>) dst(%dma_wait3A_61 : memref<625x64xf32, #tpu.memory_space<hbm>>)
      tpu.yield
    }) : () -> ()
    return
  }
}

module attributes {stable_mosaic.version = 14 : i64} {
  func.func @_mm_tc_body(%arg0: i32, %arg1: memref<1000x128xf32, #tpu.memory_space<vmem>>, %arg2: memref<128x64xf32, #tpu.memory_space<vmem>>, %arg3: memref<1000x64xf32, #tpu.memory_space<vmem>>) attributes {dimension_semantics = [#tpu.dimension_semantics<arbitrary>], iteration_bounds = array<i64: 10>, scalar_prefetch = 0 : i64, scratch_operands = 0 : i64, tpu.core_type = #tpu.core_type<tc>, window_params = [{transform_indices = @transform_0, window_bounds = array<i64: 1000, 128>}, {pipeline_mode = #tpu.pipeline_mode<synchronous>, transform_indices = @transform_1, window_bounds = array<i64: 128, 64>}, {transform_indices = @transform_2, window_bounds = array<i64: 1000, 64>}]} {
    %get3A = arith.constant 0 : index
    %get3A_0 = arith.constant 0 : index
    %get3A_1 = vector.load %arg1[%get3A, %get3A_0] : memref<1000x128xf32, #tpu.memory_space<vmem>>, vector<1000x128xf32>
    %get3A_2 = arith.constant 0 : index
    %get3A_3 = arith.constant 0 : index
    %get3A_4 = vector.load %arg2[%get3A_2, %get3A_3] : memref<128x64xf32, #tpu.memory_space<vmem>>, vector<128x64xf32>
    %dot_general3A = arith.constant dense<0.000000e+00> : vector<1000x64xf32>
    %dot_general3A_5 = tpu.matmul %get3A_1, %get3A_4, %dot_general3A {dimension_numbers = #tpu.dot_dimension_numbers<[1], [0], [0], [1], [0, 0, 1, 1], [], []>, transpose_lhs_hint = false} : vector<1000x128xf32>, vector<128x64xf32>, vector<1000x64xf32> -> vector<1000x64xf32>
    %swap3A = arith.constant 0 : index
    %swap3A_6 = arith.constant 0 : index
    %swap3A_7 = vector.load %arg3[%swap3A, %swap3A_6] : memref<1000x64xf32, #tpu.memory_space<vmem>>, vector<1000x64xf32>
    tpu.vector_store %arg3[%swap3A, %swap3A_6], %dot_general3A_5 {strides = array<i32>} : memref<1000x64xf32, #tpu.memory_space<vmem>>, vector<1000x64xf32>,
    return
  }
  func.func @transform_0(%arg0: i32) -> (i32, i32) {
    %c0_i32 = arith.constant 0 : i32
    %c0_i32_0 = arith.constant 0 : i32
    return %arg0, %c0_i32 : i32, i32
  }
  func.func @transform_1(%arg0: i32) -> (i32, i32) {
    %c0_i32 = arith.constant 0 : i32
    %c0_i32_0 = arith.constant 0 : i32
    %c0_i32_1 = arith.constant 0 : i32
    return %c0_i32, %c0_i32_0 : i32, i32
  }
  func.func @transform_2(%arg0: i32) -> (i32, i32) {
    %c0_i32 = arith.constant 0 : i32
    %c0_i32_0 = arith.constant 0 : i32
    return %arg0, %c0_i32 : i32, i32
  }
}

module attributes {stable_mosaic.version = 14 : i64} {
  func.func @_scale_tc_body(%arg0: i32, %arg1: memref<1000x64xf32, #tpu.memory_space<vmem>>, %arg2: memref<2x1000x8xf32, #tpu.memory_space<vmem>>, %arg3: memref<1000x64xf32, #tpu.memory_space<vmem>>) attributes {dimension_semantics = [#tpu.dimension_semantics<arbitrary>], iteration_bounds = array<i64: 10>, scalar_prefetch = 0 : i64, scratch_operands = 0 : i64, tpu.core_type = #tpu.core_type<tc>, window_params = [{transform_indices = @transform_0, window_bounds = array<i64: 1000, 64>}, {transform_indices = @transform_1, window_bounds = array<i64: 2, 1000, 8>}, {transform_indices = @transform_2, window_bounds = array<i64: 1000, 64>}]} {
    %get3A = arith.constant 0 : index
    %get3A_0 = arith.constant 0 : index
    %get3A_1 = arith.constant 0 : index
    %get3A_2 = vector.load %arg2[%get3A, %get3A_0, %get3A_1] : memref<2x1000x8xf32, #tpu.memory_space<vmem>>, vector<1x1000x1xf32>
    %get3A_3 = vector.shape_cast %get3A_2 : vector<1x1000x1xf32> to vector<1000xf32>
    %get3A_4 = arith.constant 1 : index
    %get3A_5 = arith.constant 0 : index
    %get3A_6 = arith.constant 0 : index
    %get3A_7 = vector.load %arg2[%get3A_4, %get3A_5, %get3A_6] : memref<2x1000x8xf32, #tpu.memory_space<vmem>>, vector<1x1000x1xf32>
    %get3A_8 = vector.shape_cast %get3A_7 : vector<1x1000x1xf32> to vector<1000xf32>
    %add3A = arith.addf %get3A_3, %get3A_8 : vector<1000xf32>
    %add3A_9 = arith.constant 1.000000e+00 : f32
    %add3A_10 = vector.broadcast %add3A_9 : f32 to vector<1000xf32>
    %add3A_11 = arith.addf %add3A, %add3A_10 : vector<1000xf32>
    %rsqrt3A = math.rsqrt %add3A_11 : vector<1000xf32>
    %get3A_12 = arith.constant 0 : index
    %get3A_13 = arith.constant 0 : index
    %get3A_14 = vector.load %arg1[%get3A_12, %get3A_13] : memref<1000x64xf32, #tpu.memory_space<vmem>>, vector<1000x64xf32>
    %broadcast_in_dim3A = vector.shape_cast %rsqrt3A : vector<1000xf32> to vector<1000x1xf32>
    %mul3A = vector.broadcast %broadcast_in_dim3A : vector<1000x1xf32> to vector<1000x64xf32>
    %mul3A_15 = arith.mulf %get3A_14, %mul3A : vector<1000x64xf32>
    %swap3A = arith.constant 0 : index
    %swap3A_16 = arith.constant 0 : index
    %swap3A_17 = vector.load %arg3[%swap3A, %swap3A_16] : memref<1000x64xf32, #tpu.memory_space<vmem>>, vector<1000x64xf32>
    tpu.vector_store %arg3[%swap3A, %swap3A_16], %mul3A_15 {strides = array<i32>} : memref<1000x64xf32, #tpu.memory_space<vmem>>, vector<1000x64xf32>,
    return
  }
  func.func @transform_0(%arg0: i32) -> (i32, i32) {
    %c0_i32 = arith.constant 0 : i32
    %c0_i32_0 = arith.constant 0 : i32
    return %arg0, %c0_i32 : i32, i32
  }
  func.func @transform_1(%arg0: i32) -> (i32, i32, i32) {
    %c0_i32 = arith.constant 0 : i32
    %c0_i32_0 = arith.constant 0 : i32
    %c0_i32_1 = arith.constant 0 : i32
    return %c0_i32, %arg0, %c0_i32_0 : i32, i32, i32
  }
  func.func @transform_2(%arg0: i32) -> (i32, i32) {
    %c0_i32 = arith.constant 0 : i32
    %c0_i32_0 = arith.constant 0 : i32
    return %arg0, %c0_i32 : i32, i32
  }
}

module attributes {stable_mosaic.version = 14 : i64} {
  func.func @_final_tc_body(%arg0: i32, %arg1: memref<2x1000x64xf32, #tpu.memory_space<vmem>>, %arg2: memref<1000x64xf32, #tpu.memory_space<vmem>>, %arg3: memref<2x1000x8xf32, #tpu.memory_space<vmem>>, %arg4: memref<1x64xf32, #tpu.memory_space<vmem>>, %arg5: memref<1000x64xf32, #tpu.memory_space<vmem>>) attributes {dimension_semantics = [#tpu.dimension_semantics<arbitrary>], iteration_bounds = array<i64: 10>, scalar_prefetch = 0 : i64, scratch_operands = 0 : i64, tpu.core_type = #tpu.core_type<tc>, window_params = [{transform_indices = @transform_0, window_bounds = array<i64: 2, 1000, 64>}, {transform_indices = @transform_1, window_bounds = array<i64: 1000, 64>}, {transform_indices = @transform_2, window_bounds = array<i64: 2, 1000, 8>}, {pipeline_mode = #tpu.pipeline_mode<synchronous>, transform_indices = @transform_3, window_bounds = array<i64: 1, 64>}, {transform_indices = @transform_4, window_bounds = array<i64: 1000, 64>}]} {
    %get3A = arith.constant 0 : index
    %get3A_0 = arith.constant 0 : index
    %get3A_1 = arith.constant 0 : index
    %get3A_2 = vector.load %arg3[%get3A, %get3A_0, %get3A_1] : memref<2x1000x8xf32, #tpu.memory_space<vmem>>, vector<1x1000x1xf32>
    %get3A_3 = vector.shape_cast %get3A_2 : vector<1x1000x1xf32> to vector<1000xf32>
    %get3A_4 = arith.constant 1 : index
    %get3A_5 = arith.constant 0 : index
    %get3A_6 = arith.constant 0 : index
    %get3A_7 = vector.load %arg3[%get3A_4, %get3A_5, %get3A_6] : memref<2x1000x8xf32, #tpu.memory_space<vmem>>, vector<1x1000x1xf32>
    %get3A_8 = vector.shape_cast %get3A_7 : vector<1x1000x1xf32> to vector<1000xf32>
    %add3A = arith.addf %get3A_3, %get3A_8 : vector<1000xf32>
    %add3A_9 = arith.constant 1.000000e+00 : f32
    %add3A_10 = vector.broadcast %add3A_9 : f32 to vector<1000xf32>
    %add3A_11 = arith.addf %add3A, %add3A_10 : vector<1000xf32>
    %rsqrt3A = math.rsqrt %add3A_11 : vector<1000xf32>
    %get3A_12 = arith.constant 0 : index
    %get3A_13 = arith.constant 0 : index
    %get3A_14 = arith.constant 0 : index
    %get3A_15 = vector.load %arg1[%get3A_12, %get3A_13, %get3A_14] : memref<2x1000x64xf32, #tpu.memory_space<vmem>>, vector<1x1000x64xf32>
    %get3A_16 = vector.shape_cast %get3A_15 : vector<1x1000x64xf32> to vector<1000x64xf32>
    %get3A_17 = arith.constant 1 : index
    %get3A_18 = arith.constant 0 : index
    %get3A_19 = arith.constant 0 : index
    %get3A_20 = vector.load %arg1[%get3A_17, %get3A_18, %get3A_19] : memref<2x1000x64xf32, #tpu.memory_space<vmem>>, vector<1x1000x64xf32>
    %get3A_21 = vector.shape_cast %get3A_20 : vector<1x1000x64xf32> to vector<1000x64xf32>
    %add3A_22 = arith.addf %get3A_16, %get3A_21 : vector<1000x64xf32>
    %get3A_23 = arith.constant 0 : index
    %get3A_24 = arith.constant 0 : index
    %get3A_25 = vector.load %arg2[%get3A_23, %get3A_24] : memref<1000x64xf32, #tpu.memory_space<vmem>>, vector<1000x64xf32>
    %add3A_26 = arith.addf %add3A_22, %get3A_25 : vector<1000x64xf32>
    %broadcast_in_dim3A = vector.shape_cast %rsqrt3A : vector<1000xf32> to vector<1000x1xf32>
    %mul3A = vector.broadcast %broadcast_in_dim3A : vector<1000x1xf32> to vector<1000x64xf32>
    %mul3A_27 = arith.mulf %mul3A, %add3A_26 : vector<1000x64xf32>
    %get3A_28 = arith.constant 0 : index
    %get3A_29 = arith.constant 0 : index
    %get3A_30 = vector.load %arg4[%get3A_28, %get3A_29] : memref<1x64xf32, #tpu.memory_space<vmem>>, vector<1x64xf32>
    %add3A_31 = vector.broadcast %get3A_30 : vector<1x64xf32> to vector<1000x64xf32>
    %add3A_32 = arith.addf %mul3A_27, %add3A_31 : vector<1000x64xf32>
    %swap3A = arith.constant 0 : index
    %swap3A_33 = arith.constant 0 : index
    %swap3A_34 = vector.load %arg5[%swap3A, %swap3A_33] : memref<1000x64xf32, #tpu.memory_space<vmem>>, vector<1000x64xf32>
    tpu.vector_store %arg5[%swap3A, %swap3A_33], %add3A_32 {strides = array<i32>} : memref<1000x64xf32, #tpu.memory_space<vmem>>, vector<1000x64xf32>,
    return
  }
  func.func @transform_0(%arg0: i32) -> (i32, i32, i32) {
    %c0_i32 = arith.constant 0 : i32
    %c0_i32_0 = arith.constant 0 : i32
    %c0_i32_1 = arith.constant 0 : i32
    return %c0_i32, %arg0, %c0_i32_0 : i32, i32, i32
  }
  func.func @transform_1(%arg0: i32) -> (i32, i32) {
    %c0_i32 = arith.constant 0 : i32
    %c0_i32_0 = arith.constant 0 : i32
    return %arg0, %c0_i32 : i32, i32
  }
  func.func @transform_2(%arg0: i32) -> (i32, i32, i32) {
    %c0_i32 = arith.constant 0 : i32
    %c0_i32_0 = arith.constant 0 : i32
    %c0_i32_1 = arith.constant 0 : i32
    return %c0_i32, %arg0, %c0_i32_0 : i32, i32, i32
  }
  func.func @transform_3(%arg0: i32) -> (i32, i32) {
    %c0_i32 = arith.constant 0 : i32
    %c0_i32_0 = arith.constant 0 : i32
    %c0_i32_1 = arith.constant 0 : i32
    return %c0_i32, %c0_i32_0 : i32, i32
  }
  func.func @transform_4(%arg0: i32) -> (i32, i32) {
    %c0_i32 = arith.constant 0 : i32
    %c0_i32_0 = arith.constant 0 : i32
    return %arg0, %c0_i32 : i32, i32
  }
}

</mosaic_0001>

<sc_bundles>
// kernel: kernel.10.cloned.1.call-start
scs
__scs_entry_jumppad:
0x0: {  	(pc) =	sbr.rel $0x88, $3  }
0x1: {  	(tag) =	ssettag $0x0;
	lr =	simm.s32 $0x1  }
0x2: {  	[smem:$0x3F9D] =	sst lr;
	_ =	strace $0xD0000000  }
0x3: {  	_ = 	snop  }
0x4: {  	_ = 	snop  }
0x5: {  	_ = 	snop  }
0x6: {  	_ = 	snop  }
0x7: {  	_ = 	snop  }
__scs_overlays_trampoline_lowered:
0x8: {  	[smem:$0x3FAC] =	sst s0  }
0x9: {  	[smem:$0x3FAD] =	sst s1  }
0xa: {  	[smem:$0x3FAE] =	sst s2  }
0xb: {  	[smem:$0x3FAF] =	sst s3  }
0xc: {  	[smem:$0x3FB0] =	sst s4  }
0xd: {  	[smem:$0x3FB1] =	sst s5  }
0xe: {  	[smem:$0x3FB2] =	sst s6  }
0xf: {  	[smem:$0x3FB3] =	sst s7  }
0x10: {  	[smem:$0x3FB4] =	sst s8  }
0x11: {  	[smem:$0x3FB5] =	sst s9;
	s0 =	simm.s32 @!p0 $0x0  }
0x12: {  	s1 =	sld [smem:$0x3F9B];
	s0 =	simm.s32 @p0 $0x1  }
0x13: {  	[smem:$0x3FB6] =	sst s0;
	s0 =	simm.s32 @!p1 $0x0  }
0x14: {  	s2 =	sld [smem:$0x3F9A];
	s0 =	simm.s32 @p1 $0x1  }
0x15: {  	[smem:$0x3FB7] =	sst s0;
	s0 =	simm.s32 @!p2 $0x0  }
0x16: {  	s3 =	sld [smem:$0x3FDB];
	s0 =	simm.s32 @p2 $0x1  }
0x17: {  	s4 =	simm.s32 $0x1BF5;
	[smem:$0x3FB9] =	sst s0  }
0x18: {  	s0 =	sld [smem:$0x3F9C];
	_ =	swait.ge [sflag:s4], $0x0  }
0x19: {  	s7 =	sld [smem:$0x3F9D]  }
0x1a: {  	s8 =	sadd.s32 $0xFFFFE003, lr  }
0x1b: {  	s9 =	sadd.s32 $0xFFFFFEF7, lr;
	s5 =	simm.s32 $0xFFFFFFFF;
	p2 =	slt.u32 s8, $0xFFFFF086  }
0x1c: {  	p1 =	slt.u32 s9, $0xF7A;
	s5 =	simm.s32 @!p2 $0x0  }
0x1d: {  	s5 =	simm.s32 @p1 $0x1;
	p0 =	seq.s32 s7, s2  }
0x1e: {  	s7 =	smul.u32 @!p0 $0xF7A, s2;
	p2 =	seq.s32 @!p0 s5, $0x0  }
0x1f: {  	s9 =	smul.u32 $0xF7A, s1;
	s8 =	simm.s32 @!p0 $0x1BF5;
	p2 =	por !p2, p0  }
0x20: {  	[sflag:s8] =	ssyncset.s32 @!p0 $0xFFFFF086;
	s6 =	sadd.s32 @!p0 s3, s7;
	s7 =	simm.s32 @!p0 $0x108  }
0x21: {  	s3 =	sadd.s32 s3, s9;
	s6 =	sadd.s32 @!p0 $0x88, s6;
	s7 =	simm.s32 @p2 $0x1082  }
0x22: {  	[simem:s7], [sflag:s8] =	dma.local @!p0 [hbm:s6], $0xF7A  }
0x23: {  	s9 =	sor.u32 $0xD0000000, s2;
	s6 =	simm.s32 $0x108;
	_ =	swait.ge @!p0 [sflag:s8], $0x0  }
0x24: {  	s3 =	sadd.s32 $0x88, s3;
	s6 =	simm.s32 @!p1 $0x1082;
	[sflag:s4] =	ssyncset.s32 $0xFFFFF086  }
0x25: {  	[simem:s6], [sflag:s4] =	dma.local [hbm:s3], $0xF7A  }
0x26: {  	[smem:$0x3F9D] =	sst s1;
	(tag) =	ssettag s2;
	_ =	strace s9  }
0x27: {  	s1 =	sld [smem:$0x3FAD]  }
0x28: {  	s2 =	sld [smem:$0x3FAE]  }
0x29: {  	s4 =	sld [smem:$0x3FB0]  }
0x2a: {  	p0 =	seq.s32 s5, $0x0;
	s5 =	sld [smem:$0x3FB1]  }
0x2b: {  	s6 =	sld [smem:$0x3FB2]  }
0x2c: {  	s7 =	sld [smem:$0x3FB3]  }
0x2d: {  	s3 =	simm.s32 $0x108;
	s8 =	sld [smem:$0x3FB4]  }
0x2e: {  	s3 =	simm.s32 @!p0 $0x1082;
	s9 =	sld [smem:$0x3FB5]  }
0x2f: {  	lr =	sadd.s32 s0, s3;
	s0 =	sld [smem:$0x3FAC]  }
0x30: {  	s3 =	sld [smem:$0x3FAF]  }
0x31: {  	[smem:$0x3FB8] =	sst s10  }
0x32: {  	s10 =	sld [smem:$0x3FB6];
	_ =	sdelay $0x3  }
0x33: {  	p0 =	seq.s32 s10, $0x1;
	s10 =	sld [smem:$0x3FB8];
	_ =	sdelay $0x3  }
0x34: {  	[smem:$0x3FB8] =	sst s10  }
0x35: {  	s10 =	sld [smem:$0x3FB7];
	_ =	sdelay $0x3  }
0x36: {  	p1 =	seq.s32 s10, $0x1;
	s10 =	sld [smem:$0x3FB8];
	_ =	sdelay $0x3  }
0x37: {  	[smem:$0x3FB8] =	sst s10  }
0x38: {  	s10 =	sld [smem:$0x3FB9]  }
0x39: {  	_ = 	snop;
	(pc) =	sbr.ind lr, $3  }
0x3a: {  	_ = 	snop  }
0x3b: {  	_ = 	snop  }
0x3c: {  	p2 =	seq.s32 s10, $0x1;
	s10 =	sld [smem:$0x3FB8]  }
0x3d: {  	_ =	shalt  }
0x3e: {  	_ =	shalt  }
0x3f: {  	_ =	shalt  }
0x40: {  	_ =	shalt  }
0x41: {  	_ =	shalt  }
0x42: {  	_ =	shalt  }
0x43: {  	_ =	shalt  }
0x44: {  	_ =	shalt  }
0x45: {  	_ =	shalt  }
0x46: {  	_ =	shalt  }
0x47: {  	_ =	shalt  }
0x48: {  	_ =	shalt  }
0x49: {  	_ =	shalt  }
0x4a: {  	_ =	shalt  }
0x4b: {  	_ =	shalt  }
0x4c: {  	_ =	shalt  }
0x4d: {  	_ =	shalt  }
0x4e: {  	_ =	shalt  }
0x4f: {  	_ =	shalt  }
0x50: {  	_ =	shalt  }
0x51: {  	_ =	shalt  }
0x52: {  	_ =	shalt  }
0x53: {  	_ =	shalt  }
0x54: {  	_ =	shalt  }
0x55: {  	_ =	shalt  }
0x56: {  	_ =	shalt  }
0x57: {  	_ =	shalt  }
0x58: {  	_ =	shalt  }
0x59: {  	_ =	shalt  }
0x5a: {  	_ =	shalt  }
0x5b: {  	_ =	shalt  }
0x5c: {  	_ =	shalt  }
0x5d: {  	_ =	shalt  }
0x5e: {  	_ =	shalt  }
0x5f: {  	_ =	shalt  }
0x60: {  	_ =	shalt  }
0x61: {  	_ =	shalt  }
0x62: {  	_ =	shalt  }
0x63: {  	_ =	shalt  }
0x64: {  	_ =	shalt  }
0x65: {  	_ =	shalt  }
0x66: {  	_ =	shalt  }
0x67: {  	_ =	shalt  }
0x68: {  	_ =	shalt  }
0x69: {  	_ =	shalt  }
0x6a: {  	_ =	shalt  }
0x6b: {  	_ =	shalt  }
0x6c: {  	_ =	shalt  }
0x6d: {  	_ =	shalt  }
0x6e: {  	_ =	shalt  }
0x6f: {  	_ =	shalt  }
0x70: {  	_ =	shalt  }
0x71: {  	_ =	shalt  }
0x72: {  	_ =	shalt  }
0x73: {  	_ =	shalt  }
0x74: {  	_ =	shalt  }
0x75: {  	_ =	shalt  }
0x76: {  	_ =	shalt  }
0x77: {  	_ =	shalt  }
0x78: {  	_ =	shalt  }
0x79: {  	_ =	shalt  }
0x7a: {  	_ =	shalt  }
0x7b: {  	_ =	shalt  }
0x7c: {  	_ =	shalt  }
0x7d: {  	_ =	shalt  }
0x7e: {  	_ =	shalt  }
0x7f: {  	_ =	shalt  }
0x80: {  	_ =	shalt  }
0x81: {  	_ =	shalt  }
0x82: {  	_ =	shalt  }
0x83: {  	_ =	shalt  }
0x84: {  	_ =	shalt  }
0x85: {  	_ =	shalt  }
0x86: {  	_ =	shalt  }
0x87: {  	_ =	shalt  }
.Lfunc_end0:
.L_simem_size_0:
called_computation.1_lowered:
.L_overlay_start_0:
0x88: {  	s2 =	sld [smem:$0x3FD9]  }
0x89: {  	s3 =	sld [smem:$0x3FFE];
	_ =	sdelay $0x1  }
0x8a: {  	s1 =	srdreg.scid  }
0x8b: {  	s0 =	sand.u32 $0x1, s1  }
0x8c: {  	s17 =	sshll.u32 s0, $0xA;
	s2 =	sadd.s32 s3, s2  }
0x8d: {  	s2 =	sadd.s32 s2, s17  }
0x8e: {  	[smem:$0x3FC4] =	sst s2  }
0x8f: {  	_ = 	snop  }
0x90: {  	s2 =	sld [smem:$0x3FD0];
	(tm) =	ssettm $0x1  }
0x91: {  	s18 =	sld [smem:$0x3FFB];
	_ =	sdelay $0x3  }
0x92: {  	_ =	strace s18  }
0x93: {  	s3 =	sld [smem:$0x3FFC];
	_ =	sdelay $0x3  }
0x94: {  	_ =	strace s3  }
0x95: {  	s3 =	sld [smem:$0x3FFD];
	_ =	sdelay $0x3  }
0x96: {  	_ =	strace s3  }
0x97: {  	_ =	strace $0x8FFFFFFF  }
0x98: {  	s19 =	sld [smem:$0x3FDB];
	_ =	sdelay $0x1  }
0x99: {  	s4 =	simm.s32 $_scs_section_size  }
0x9a: {  	s5 =	simm.s32 $_size__tile_overlayer_lowered;
	s6 =	simm.s32 $_tile_overlayer_lowered  }
0x9b: {  	s22 =	simm.s32 $0x1BFF;
	s21 =	sshll.u32 s6, $0x1;
	s3 =	sadd.s32 s4, s19  }
0x9c: {  	s7 =	simm.s32 $0x0;
	s20 =	sshll.u32 s5, $0x1;
	s5 =	sadd.s32 s21, s3  }
0x9d: {  	[timem:s7], [sflag:s22] =	dma.local [hbm:s5], s20  }
0x9e: {  	_ =	swait.ge [sflag:s22], s20  }
0x9f: {  	s4 =	ssub.s32 $0x0, s20;
	[sflag:s22] =	ssyncset.done $0x0  }
0xa0: {  	[sflag:s22] =	ssyncadd.s32 s4;
	_ =	sdelay $0x1  }
0xa1: {  	s23 =	simm.s32 $0x1B8B  }
0xa2: {  	_ =	swait.ge [sflag:s23], $0x1  }
0xa3: {  	[sflag:s23] =	ssyncset.done $0x0  }
0xa4: {  	s25 =	simm.s32 $0x1B8E;
	s24 =	sld [smem:$0x3FFE];
	[sflag:s23] =	ssyncadd.s32 $0xFFFFFFFF  }
0xa5: {  	s26 =	simm.s32 $execute0_lowered;
	[smem:$0x3FD2] =	sst s25  }
0xa6: {  	s5 =	sshll.u32 s26, $0x1;
	_ =	strace $0x80000049;
	[dreg:$0x1] =	wrdreg $0xFFFFFFFF  }
0xa7: {  	s28 =	simm.s32 $_size_execute0_lowered;
	s3 =	sadd.s32 s3, s5;
	[dreg:$0x0] =	wrdreg $0x0  }
0xa8: {  	s5 =	sshll.u32 s28, $0x1;
	[dreg:$0x2] =	wrdreg s3  }
0xa9: {  	[dreg:$0x3] =	wrdreg s5  }
0xaa: {  	[dreg:$0x4] =	wrdreg $0xC0  }
0xab: {  	_ =	task [dreg:s7], $0x5FFFF  }
0xac: {  	[dreg:$0x1] =	wrdreg $0xFFFFFFFF  }
0xad: {  	[dreg:$0x0] =	wrdreg $0x60  }
0xae: {  	[dreg:$0x2] =	wrdreg s24  }
0xaf: {  	[dreg:$0x3] =	wrdreg s2  }
0xb0: {  	[dreg:$0x4] =	wrdreg $0x14A000  }
0xb1: {  	[dreg:$0x5] =	wrdreg $0xADC00  }
0xb2: {  	[dreg:$0x6] =	wrdreg $0x9  }
0xb3: {  	_ =	task.clear_ibuf [dreg:s7], $0x7FFFF;
	_ =	strace $0x90000049  }
0xb4: {  	s29 =	simm.s32 $0x9;
	_ =	strace $0x8000004B  }
0xb5: {  	_ =	swait.ge [sflag:s29], $0x1  }
0xb6: {  	[sflag:s29] =	ssyncadd.s32 $0xFFFFFFFF  }
0xb7: {  	_ =	strace $0x9000004B  }
0xb8: {  	_ =	sfence  }
0xb9: {  	s30 =	sld [smem:$0x0];
	_ =	sdelay $0x2  }
0xba: {  	s31 =	sshll.u32 s1, $0xD;
	s1 =	sshrl.u32 s1, $0x2  }
0xbb: {  	s3 =	sand.u32 $0x4000, s31;
	s1 =	sadd.s32 s1, s30  }
0xbc: {  	s0 =	sor.u32 s3, s0;
	s1 =	sshll.u32 s1, $0x11  }
0xbd: {  	s0 =	sor.u32 s1, s0  }
0xbe: {  	s0 =	sadd.s32 $0x8F2B, s0  }
0xbf: {  	[sflag:s0] =	ssyncadd.remote.s32 $0x1  }
0xc0: {  	_ =	sfence.sel $0xFFFF  }
0xc1: {  	[dreg:$0x0] =	wrdreg $0xFFFFFFFF;
	(pc) =	sbr.abs _section_cstart, $3  }
0xc2: {  	[dreg:$0x1] =	wrdreg $0xFFFFFFFF  }
0xc3: {  	_ =	task.clear_ibuf [dreg:s7], $0x2FFFF;
	_ =	strace $0x9FFFFFFF  }
0xc4: {  	(tm) =	ssettm $0x7FFFFFFF  }
0xc5: {  	_ =	shalt  }
tec
execute0_lowered:
.L_overlay_start_1:
0x0: {  	(tag) =	ssettag $0x1  }
0x1: {  	s0 =	srdreg.scid  }
0x2: {  	s4 =	stileid.u32;
	s1 =	rddreg [dreg:$0x0]  }
0x3: {  	s5 =	rddreg [dreg:$0x1];
	s8 =	simm.s32 $0x0;
	s17 =	simm.s32 $0x7  }
0x4: {  	s28 =	simm.s32 $0x6;
	s30 =	simm.s32 $0x4;
	s31 =	simm.s32 $0x5  }
0x5: {  	s0 =	sand.u32 $0x1, s0;
	s2 =	sshll.u32 s4, $0x1;
	s9 =	smul.u32 $0x9C40, s4  }
0x6: {  	[smem:$0x7FF] =	sst s8;
	s22 =	smul.u32 $0x27100, s4;
	s24 =	sshll.u32 s4, $0x6  }
0x7: {  	s3 =	sor.u32 s0, s2;
	s2 =	rddreg [dreg:$0x2];
	s7 =	smul.u32 $0x9C400, s0  }
0x8: {  	s0 =	ssub.s32 $0x2, s0;
	s6 =	smul.u32 $0x2800, s3;
	s3 =	rddreg [dreg:$0x3]  }
0x9: {  	_ =	strace $0x8000004A;
	s21 =	sshrl.u32 s0, $0x1;
	s16 =	sadd.s32 s9, s2  }
0xa: {  	s23 =	sshrl.u32 s9, $0x3;
	s10 =	sshrl.u32 s22, $0x2;
	s22 =	simm.s32 $0x1  }
0xb: {  	s7 =	sadd.s32 s9, s7;
	s0 =	ssub.s32 s0, s21;
	s5 =	sadd.s32 s5, s23  }
0xc: {  	s13 =	sadd.s32 s10, s3;
	s9 =	sadd.s32 s9, s3;
	s16 =	sshrl.u32 s16, $0x3  }
0xd: {  	s21 =	simm.s32 $0x6F40;
	s23 =	simm.s32 $0x8E80;
	s6 =	sshrl.u32 s6, $0x3  }
0xe: {  	s20 =	sshrl.u32 s7, $0x3;
	[dreg:$0x5] =	wrdreg s5;
	s29 =	sadd.s32 $0x1F40, s13  }
0xf: {  	s11 =	sadd.s32 $0x3E80, s13;
	s12 =	sadd.s32 $0x5DC0, s13;
	s13 =	sadd.s32 $0x7D00, s13  }
0x10: {  	s15 =	smax.u32 s0, $0x1;
	s19 =	sadd.s32 s6, s1;
	s1 =	sadd.s32 s20, s1  }
0x11: {  	s6 =	sor.u32 $0x1C07, s24;
	[dreg:$0x8] =	wrdreg s29;
	s20 =	simm.s32 $0x7D  }
0x12: {  	s24 =	simm.s32 $0x2;
	s25 =	sadd.s32 $0x1A00, s19;
	s26 =	sadd.s32 $0xBA00, s19  }
0x13: {  	s14 =	sadd.s32 $0x8AE00, s1;
	s19 =	simm.s32 $0x5000;
	[dreg:$0x6] =	wrdreg s25  }
0x14: {  	v0 =	vimm.f32 $0.0e+00;
	s1 =	simm.s32 $0x0;
	[dreg:$0x7] =	wrdreg s26;
	s25 =	simm.s32 $0x3  }
.LBB2_1:
0x15: {  	s0 =	rddreg [dreg:$0x5]  }
0x16: {  	[spmem:s16], [sflag:s6] =	dma.local [hbm:s0], $0x1388  }
0x17: {  	_ =	swait.ge [sflag:s17], $0x1388  }
0x18: {  	[sflag:s17] =	ssyncset.done $0x0  }
0x19: {  	s26 =	simm.s32 $0x0;
	s4 =	rddreg [dreg:$0x6];
	[sflag:s17] =	ssyncadd.s32 $0xFFFFEC78  }
0x1a: {  	[tilespmem:s26], [sflag:$0x7] =	stream.linear.gather [hbm4b:s4+s26], $0x2800, $0x38;
	[tilespmem:$0x1E640] =	vst v63  }
0x1b: {  	_ =	swait.ge [sflag:s17], $0x2800  }
0x1c: {  	[sflag:s17] =	ssyncset.done $0x0  }
0x1d: {  	s5 =	simm.s32 $0x2800;
	s29 =	rddreg [dreg:$0x7];
	[sflag:s17] =	ssyncadd.s32 $0xFFFFD800  }
0x1e: {  	[tilespmem:s5], [sflag:$0x7] =	stream.linear.gather [hbm4b:s29+s26], $0x2800, $0x38;
	[tilespmem:$0x1E640] =	vst v63  }
0x1f: {  	_ =	swait.ge [sflag:s17], $0x2800  }
0x20: {  	[sflag:s17] =	ssyncset.done $0x0  }
0x21: {  	s18 =	simm.s32 $0x100;
	s0 =	simm.s32 $0x0;
	[sflag:s17] =	ssyncadd.s32 $0xFFFFD800  }
.LBB2_2:
0x22: {  	p0 =	sne.s32 s18, $0x7C00;
	[tilespmem:s0+$0x5030] =	vst v0;
	s26 =	smov.u32 s18;
	s18 =	sadd.s32 $0x100, s18  }
.Ltmp0:
0x23: {  	[tilespmem:s0+$0x5020] =	vst v0;
	(pc) =	sbr.rel @p0 .LBB2_2-.Ltmp0, $3  }
0x24: {  	[tilespmem:s0+$0x5000] =	vst v0  }
0x25: {  	[tilespmem:s0+$0x5010] =	vst v0;
	_ =	sdelay $0x1  }
0x26: {  	s0 =	sshra.s32 s26, $0x2  }
0x27: {  	[tilespmem:s0+$0x5030] =	vst v0  }
0x28: {  	[tilespmem:s0+$0x5020] =	vst v0  }
0x29: {  	[tilespmem:s0+$0x5000] =	vst v0  }
0x2a: {  	[tilespmem:s0+$0x5010] =	vst v0  }
0x2b: {  	[spmem:s9] =	stream.linear.scatter [tilespmem:s19], [sflag:$0x7], $0x1F40, $0x38;
	[tilespmem:$0x1E640] =	vst v63  }
0x2c: {  	_ =	swait.ge [sflag:s17], $0x1F40  }
0x2d: {  	[sflag:s17] =	ssyncset.done $0x0  }
0x2e: {  	s7 =	rddreg [dreg:$0x8];
	[sflag:s17] =	ssyncadd.s32 $0xFFFFE0C0  }
0x2f: {  	[spmem:s7] =	stream.linear.scatter [tilespmem:s19], [sflag:$0x7], $0x1F40, $0x38;
	[tilespmem:$0x1E640] =	vst v63  }
0x30: {  	_ =	swait.ge [sflag:s17], $0x1F40  }
0x31: {  	[sflag:s17] =	ssyncset.done $0x0  }
0x32: {  	[sflag:s17] =	ssyncadd.s32 $0xFFFFE0C0  }
0x33: {  	[spmem:s11] =	stream.linear.scatter [tilespmem:s19], [sflag:$0x7], $0x1F40, $0x38;
	[tilespmem:$0x1E640] =	vst v63  }
0x34: {  	_ =	swait.ge [sflag:s17], $0x1F40  }
0x35: {  	[sflag:s17] =	ssyncset.done $0x0  }
0x36: {  	[sflag:s17] =	ssyncadd.s32 $0xFFFFE0C0  }
0x37: {  	[spmem:s12] =	stream.linear.scatter [tilespmem:s19], [sflag:$0x7], $0x1F40, $0x38;
	[tilespmem:$0x1E640] =	vst v63  }
0x38: {  	_ =	swait.ge [sflag:s17], $0x1F40  }
0x39: {  	[sflag:s17] =	ssyncset.done $0x0  }
0x3a: {  	[sflag:s17] =	ssyncadd.s32 $0xFFFFE0C0  }
0x3b: {  	[spmem:s13] =	stream.linear.scatter [tilespmem:s19], [sflag:$0x7], $0x1F40, $0x38;
	[tilespmem:$0x1E640] =	vst v63  }
0x3c: {  	_ =	swait.ge [sflag:s17], $0x1F40  }
0x3d: {  	[sflag:s17] =	ssyncset.done $0x0  }
0x3e: {  	p1 =	por $0x1, $0x1;
	[sflag:s17] =	ssyncadd.s32 $0xFFFFE0C0  }
0x3f: {  	s0 =	simm.s32 @!p1 $0x4;
	[bflag:$0x0] =	sbarrier.arrive $0xFFFF  }
0x40: {  	_ =	swait.ge @!p1 [sflag:s0], $0x1F40  }
0x41: {  	p0 =	por $0x1, $0x1;
	[sflag:s0] =	ssyncset.done @!p1 $0x0  }
0x42: {  	s18 =	simm.s32 $0x0;
	[sflag:s0] =	ssyncadd.s32 @!p1 $0xFFFFE0C0;
	s0 =	simm.s32 @!p0 $0x3  }
0x43: {  	[tilespmem:s19], [sflag:$0x1] =	stream.indirect.gather [spmem:s2], $0x40, s18, s20, $0xb8;
	[tilespmem:$0x1E640] =	vst v63  }
0x44: {  	s26 =	simm.s32 @!p0 $0x7D;
	_ =	swait.ge @!p0 [sflag:s0], $0x1F40  }
0x45: {  	p1 =	por $0x1, $0x1;
	s18 =	simm.s32 @!p0 $0x2780;
	[sflag:s0] =	ssyncset.done @!p0 $0x0  }
0x46: {  	s29 =	simm.s32 @!p1 $0x5;
	[sflag:s0] =	ssyncadd.s32 @!p0 $0xFFFFE0C0;
	s0 =	simm.s32 @!p0 $0x8E80  }
0x47: {  	[spmem:s3] =	stream.indirect.scatter.add.f32 @!p0 [tilespmem:s0], [sflag:$0x6], $0x40, s18, s26, $0xb8;
	[tilespmem:$0x1E640] =	vst v63  }
0x48: {  	_ =	swait.ge @!p1 [sflag:s29], $0x1F40  }
0x49: {  	[sflag:s29] =	ssyncset.done @!p1 $0x0  }
0x4a: {  	s8 =	simm.s32 $0x80;
	[sflag:s29] =	ssyncadd.s32 @!p1 $0xFFFFE0C0  }
0x4b: {  	[tilespmem:s21], [sflag:$0x2] =	stream.indirect.gather [spmem:s2], $0x40, s8, s20, $0xb8;
	[tilespmem:$0x1E640] =	vst v63  }
0x4c: {  	_ =	swait.ge [sflag:s22], $0x1F40  }
0x4d: {  	[sflag:s22] =	ssyncset.done $0x0  }
0x4e: {  	s10 =	simm.s32 $0x2800;
	s18 =	simm.s32 @!p0 $0x6;
	[sflag:s22] =	ssyncadd.s32 $0xFFFFE0C0  }
0x4f: {  	[spmem:s3] =	stream.indirect.scatter.add.f32 [tilespmem:s19], [sflag:$0x4], $0x40, s10, s20, $0xb8;
	[tilespmem:$0x1E640] =	vst v63  }
0x50: {  	_ =	swait.ge @!p0 [sflag:s18], $0x1F40  }
0x51: {  	p2 =	por $0x0, $0x0;
	s26 =	simm.s32 $0x100;
	[sflag:s18] =	ssyncset.done @!p0 $0x0  }
0x52: {  	s0 =	simm.s32 $0xC00;
	s29 =	simm.s32 $0x2880;
	[sflag:s18] =	ssyncadd.s32 @!p0 $0xFFFFE0C0  }
0x53: {  	[tilespmem:s23], [sflag:$0x3] =	stream.indirect.gather [spmem:s2], $0x40, s26, s20, $0xb8;
	[tilespmem:$0x1E640] =	vst v63  }
0x54: {  	s18 =	simm.s32 $0x0;
	s26 =	simm.s32 $0x600;
	_ =	swait.ge [sflag:s24], $0x1F40  }
.LBB2_4:
0x55: {  	s4 =	simm.s32 @!p2 $0x4  }
0x56: {  	[sflag:s24] =	ssyncset.done $0x0;
	s5 =	smov.u32 s0;
	s0 =	sadd.s32 $0x600, s0  }
0x57: {  	p0 =	sne.s32 s0, $0x9C00;
	[sflag:s24] =	ssyncadd.s32 $0xFFFFE0C0  }
0x58: {  	[spmem:s3] =	stream.indirect.scatter.add.f32 [tilespmem:s21], [sflag:$0x5], $0x40, s29, s20, $0xb8;
	[tilespmem:$0x1E640] =	vst v63  }
0x59: {  	s29 =	sadd.s32 $0x2, s18;
	_ =	swait.ge @!p2 [sflag:s4], $0x1F40  }
0x5a: {  	s7 =	sshra.s32 s26, $0x2;
	p1 =	sgt.u32 s29, $0x4F;
	[sflag:s4] =	ssyncset.done @!p2 $0x0  }
0x5b: {  	s26 =	sshra.s32 @!p1 s26, $0x2;
	[sflag:s4] =	ssyncadd.s32 @!p2 $0xFFFFE0C0;
	s4 =	simm.s32 @!p1 $0x3  }
0x5c: {  	[tilespmem:s19], [sflag:$0x1] =	stream.indirect.gather [spmem:s2], $0x40, s7, s20, $0xb8;
	[tilespmem:$0x1E640] =	vst v63  }
0x5d: {  	s29 =	sadd.s32 $0x1, s18;
	s26 =	sadd.s32 @!p1 $0x2780, s26;
	_ =	swait.ge @!p1 [sflag:s4], $0x1F40  }
0x5e: {  	s8 =	simm.s32 @!p1 $0x7D;
	p2 =	sgt.u32 s29, $0x4F;
	[sflag:s4] =	ssyncset.done @!p1 $0x0  }
0x5f: {  	s10 =	simm.s32 @!p2 $0x5;
	[sflag:s4] =	ssyncadd.s32 @!p1 $0xFFFFE0C0;
	s4 =	simm.s32 @!p1 $0x8E80  }
0x60: {  	[spmem:s3] =	stream.indirect.scatter.add.f32 @!p1 [tilespmem:s4], [sflag:$0x6], $0x40, s26, s8, $0xb8;
	[tilespmem:$0x1E640] =	vst v63  }
0x61: {  	s29 =	sadd.s32 $0x2880, s7;
	s26 =	smov.u32 s5;
	_ =	swait.ge @!p2 [sflag:s10], $0x1F40  }
0x62: {  	s4 =	sadd.s32 $0x80, s7;
	[sflag:s10] =	ssyncset.done @!p2 $0x0  }
0x63: {  	[sflag:s10] =	ssyncadd.s32 @!p2 $0xFFFFE0C0  }
0x64: {  	[tilespmem:s21], [sflag:$0x2] =	stream.indirect.gather [spmem:s2], $0x40, s4, s20, $0xb8;
	[tilespmem:$0x1E640] =	vst v63  }
0x65: {  	_ =	swait.ge [sflag:s22], $0x1F40  }
0x66: {  	s4 =	sadd.s32 $0x2800, s7;
	[sflag:s22] =	ssyncset.done $0x0  }
0x67: {  	s5 =	simm.s32 @!p1 $0x6;
	[sflag:s22] =	ssyncadd.s32 $0xFFFFE0C0  }
0x68: {  	[spmem:s3] =	stream.indirect.scatter.add.f32 [tilespmem:s19], [sflag:$0x4], $0x40, s4, s20, $0xb8;
	[tilespmem:$0x1E640] =	vst v63  }
.Ltmp1:
0x69: {  	_ =	swait.ge @!p1 [sflag:s5], $0x1F40;
	(pc) =	sbr.rel @p0 .LBB2_4-.Ltmp1, $4  }
0x6a: {  	s4 =	sadd.s32 $0x100, s7;
	[sflag:s5] =	ssyncset.done @!p1 $0x0  }
0x6b: {  	s18 =	sadd.s32 $0x3, s18;
	[sflag:s5] =	ssyncadd.s32 @!p1 $0xFFFFE0C0  }
0x6c: {  	[tilespmem:s23], [sflag:$0x3] =	stream.indirect.gather [spmem:s2], $0x40, s4, s20, $0xb8;
	[tilespmem:$0x1E640] =	vst v63  }
0x6d: {  	p2 =	sgt.u32 s18, $0x4F;
	_ =	swait.ge [sflag:s24], $0x1F40  }
0x6e: {  	[sflag:s24] =	ssyncset.done $0x0  }
0x6f: {  	s4 =	simm.s32 @!p2 $0x4;
	[sflag:s24] =	ssyncadd.s32 $0xFFFFE0C0  }
0x70: {  	[spmem:s3] =	stream.indirect.scatter.add.f32 [tilespmem:s21], [sflag:$0x5], $0x40, s29, s20, $0xb8;
	[tilespmem:$0x1E640] =	vst v63  }
0x71: {  	s5 =	sadd.s32 $0x2, s18;
	_ =	swait.ge @!p2 [sflag:s4], $0x1F40  }
0x72: {  	p0 =	sgt.u32 s5, $0x4F;
	[sflag:s4] =	ssyncset.done @!p2 $0x0  }
0x73: {  	s5 =	sshra.s32 s26, $0x2;
	[sflag:s4] =	ssyncadd.s32 @!p2 $0xFFFFE0C0;
	s4 =	simm.s32 @!p0 $0x3  }
0x74: {  	[tilespmem:s19], [sflag:$0x1] =	stream.indirect.gather [spmem:s2], $0x40, s5, s20, $0xb8;
	[tilespmem:$0x1E640] =	vst v63  }
0x75: {  	_ =	swait.ge @!p0 [sflag:s4], $0x1F40  }
0x76: {  	s7 =	sshra.s32 @!p0 s26, $0x2;
	s8 =	simm.s32 @!p0 $0x7D;
	[sflag:s4] =	ssyncset.done @!p0 $0x0  }
0x77: {  	s7 =	sadd.s32 @!p0 $0x2780, s7;
	[sflag:s4] =	ssyncadd.s32 @!p0 $0xFFFFE0C0;
	s4 =	simm.s32 @!p0 $0x8E80  }
0x78: {  	[spmem:s3] =	stream.indirect.scatter.add.f32 @!p0 [tilespmem:s4], [sflag:$0x6], $0x40, s7, s8, $0xb8;
	[tilespmem:$0x1E640] =	vst v63  }
0x79: {  	s8 =	sadd.s32 $0x1, s18  }
0x7a: {  	p1 =	sgt.u32 s8, $0x4F  }
0x7b: {  	s4 =	simm.s32 @!p1 $0x5  }
0x7c: {  	_ =	swait.ge @!p1 [sflag:s4], $0x1F40  }
0x7d: {  	[sflag:s4] =	ssyncset.done @!p1 $0x0  }
0x7e: {  	s10 =	sadd.s32 $0x80, s5;
	[sflag:s4] =	ssyncadd.s32 @!p1 $0xFFFFE0C0  }
0x7f: {  	[tilespmem:s21], [sflag:$0x2] =	stream.indirect.gather [spmem:s2], $0x40, s10, s20, $0xb8;
	[tilespmem:$0x1E640] =	vst v63  }
0x80: {  	_ =	swait.ge [sflag:s22], $0x1F40  }
0x81: {  	[sflag:s22] =	ssyncset.done $0x0  }
0x82: {  	s26 =	sadd.s32 $0x2800, s5;
	s4 =	simm.s32 @!p0 $0x6;
	[sflag:s22] =	ssyncadd.s32 $0xFFFFE0C0  }
0x83: {  	[spmem:s3] =	stream.indirect.scatter.add.f32 [tilespmem:s19], [sflag:$0x4], $0x40, s26, s20, $0xb8;
	[tilespmem:$0x1E640] =	vst v63  }
0x84: {  	_ =	swait.ge @!p0 [sflag:s4], $0x1F40  }
0x85: {  	[sflag:s4] =	ssyncset.done @!p0 $0x0  }
0x86: {  	s29 =	sadd.s32 $0x100, s5;
	[sflag:s4] =	ssyncadd.s32 @!p0 $0xFFFFE0C0  }
0x87: {  	[tilespmem:s23], [sflag:$0x3] =	stream.indirect.gather [spmem:s2], $0x40, s29, s20, $0xb8;
	[tilespmem:$0x1E640] =	vst v63  }
0x88: {  	s7 =	sadd.s32 $0x3, s18;
	_ =	swait.ge [sflag:s24], $0x1F40  }
0x89: {  	p0 =	sgt.u32 s7, $0x4F;
	[sflag:s24] =	ssyncset.done $0x0  }
0x8a: {  	s5 =	sadd.s32 $0x2880, s5;
	s4 =	simm.s32 @!p0 $0x4;
	[sflag:s24] =	ssyncadd.s32 $0xFFFFE0C0  }
0x8b: {  	[spmem:s3] =	stream.indirect.scatter.add.f32 [tilespmem:s21], [sflag:$0x5], $0x40, s5, s20, $0xb8;
	[tilespmem:$0x1E640] =	vst v63  }
0x8c: {  	_ =	swait.ge @!p0 [sflag:s4], $0x1F40  }
0x8d: {  	[sflag:s4] =	ssyncset.done @!p0 $0x0  }
0x8e: {  	s0 =	sshra.s32 s0, $0x2;
	[sflag:s4] =	ssyncadd.s32 @!p0 $0xFFFFE0C0  }
0x8f: {  	[tilespmem:s19], [sflag:$0x1] =	stream.indirect.gather [spmem:s2], $0x40, s0, s20, $0xb8;
	[tilespmem:$0x1E640] =	vst v63  }
0x90: {  	s10 =	sadd.s32 $0x1, s7;
	_ =	swait.ge [sflag:s25], $0x1F40  }
0x91: {  	p0 =	sgt.u32 s10, $0x4F;
	[sflag:s25] =	ssyncset.done $0x0  }
0x92: {  	s8 =	sadd.s32 $0x2780, s0;
	s4 =	simm.s32 @!p0 $0x5;
	[sflag:s25] =	ssyncadd.s32 $0xFFFFE0C0  }
0x93: {  	[spmem:s3] =	stream.indirect.scatter.add.f32 [tilespmem:s23], [sflag:$0x6], $0x40, s8, s20, $0xb8;
	[tilespmem:$0x1E640] =	vst v63  }
0x94: {  	_ =	swait.ge @!p0 [sflag:s4], $0x1F40  }
0x95: {  	[sflag:s4] =	ssyncset.done @!p0 $0x0  }
0x96: {  	s18 =	simm.s32 $0x2780;
	[sflag:s4] =	ssyncadd.s32 @!p0 $0xFFFFE0C0  }
0x97: {  	[tilespmem:s21], [sflag:$0x2] =	stream.indirect.gather [spmem:s2], $0x40, s18, s20, $0xb8;
	[tilespmem:$0x1E640] =	vst v63  }
0x98: {  	_ =	swait.ge [sflag:s22], $0x1F40  }
0x99: {  	[sflag:s22] =	ssyncset.done $0x0  }
0x9a: {  	s0 =	sadd.s32 $0x2800, s0;
	[sflag:s22] =	ssyncadd.s32 $0xFFFFE0C0  }
0x9b: {  	[spmem:s3] =	stream.indirect.scatter.add.f32 [tilespmem:s19], [sflag:$0x4], $0x40, s0, s20, $0xb8;
	[tilespmem:$0x1E640] =	vst v63  }
0x9c: {  	_ =	swait.ge [sflag:s28], $0x1F40  }
0x9d: {  	[sflag:s28] =	ssyncset.done $0x0  }
0x9e: {  	[sflag:s28] =	ssyncadd.s32 $0xFFFFE0C0  }
0x9f: {  	_ =	swait.ge [sflag:s24], $0x1F40  }
0xa0: {  	[sflag:s24] =	ssyncset.done $0x0  }
0xa1: {  	s26 =	simm.s32 $0x4F80;
	[sflag:s24] =	ssyncadd.s32 $0xFFFFE0C0  }
0xa2: {  	[spmem:s3] =	stream.indirect.scatter.add.f32 [tilespmem:s21], [sflag:$0x5], $0x40, s26, s20, $0xb8;
	[tilespmem:$0x1E640] =	vst v63  }
0xa3: {  	_ =	swait.ge [sflag:s30], $0x1F40  }
0xa4: {  	[sflag:s30] =	ssyncset.done $0x0  }
0xa5: {  	[sflag:s30] =	ssyncadd.s32 $0xFFFFE0C0  }
0xa6: {  	_ =	swait.ge [sflag:s31], $0x1F40  }
0xa7: {  	s1 =	sadd.s32 $0x1, s1;
	[sflag:s31] =	ssyncset.done $0x0  }
0xa8: {  	p0 =	sne.s32 s1, s15;
	[sflag:s31] =	ssyncadd.s32 $0xFFFFE0C0  }
.Ltmp2:
0xa9: {  	s29 =	sshrl.u32 s9, $0x3;
	[bflag:$0x0] =	sbarrier.arrive $0xFFFF;
	(pc) =	sbr.rel @p0 .LBB2_1-.Ltmp2, $4  }
0xaa: {  	[hbm:s14], [sflag:s6] =	dma.local [spmem:s29], $0x1388  }
0xab: {  	_ =	swait.ge [sflag:s17], $0x1388  }
0xac: {  	[sflag:s17] =	ssyncset.done $0x0  }
0xad: {  	[sflag:s17] =	ssyncadd.s32 $0xFFFFEC78  }
0xae: {  	_ =	sfence.sel $0x180000  }
0xaf: {  	[bflag:$0x0] =	sbarrier.arrive $0xFFFF  }
0xb0: {  	_ =	strace $0x9000004A  }
0xb1: {  	s0 =	stileid.u32;
	[bflag:$0x2] =	sbarrier.arrive $0xFFFF  }
0xb2: {  	p0 =	sne.s32 s0, $0x0;
	s0 =	rddreg [dreg:$0x4]  }
0xb3: {  	s0 =	sadd.s32 @!p0 $0x100000, s0  }
0xb4: {  	[sflag:s0] =	ssyncadd.tile.s32 @!p0 $0x1;
	_ =	shalt  }
.Lfunc_end2:
_tile_overlayer_lowered:
.L_overlay_start_2:
0xb5: {  	(tag) =	ssettag $0x2  }
0xb6: {  	s0 =	rddreg [dreg:$0x0];
	s2 =	stileid.u32  }
0xb7: {  	s1 =	rddreg [dreg:$0x1];
	p0 =	sne.s32 s2, $0x0  }
0xb8: {  	s3 =	rddreg [dreg:$0x2];
	[bflag:$0x3] =	sbarrier.arrive $0xFFFF;
	s2 =	simm.s32 @!p0 $0x1C07  }
0xb9: {  	[timem:s3], [sflag:s2] =	dma.local @!p0 [hbm:s0], s1  }
0xba: {  	s0 =	simm.s32 @!p0 $0x7  }
0xbb: {  	_ =	swait.ge @!p0 [sflag:s0], s1  }
0xbc: {  	s1 =	ssub.s32 @!p0 $0x0, s1;
	[sflag:s0] =	ssyncset.done @!p0 $0x0  }
0xbd: {  	[sflag:s0] =	ssyncadd.s32 @!p0 s1  }
0xbe: {  	[bflag:$0x3] =	sbarrier.arrive $0xFFFF  }
0xbf: {  	_ =	shalt  }

// kernel: kernel.7.cloned.1.call-start
scs
__scs_entry_jumppad:
0x0: {  	(pc) =	sbr.rel $0x88, $3  }
0x1: {  	(tag) =	ssettag $0x0;
	lr =	simm.s32 $0x1  }
0x2: {  	[smem:$0x3F9D] =	sst lr;
	_ =	strace $0xD0000000  }
0x3: {  	_ = 	snop  }
0x4: {  	_ = 	snop  }
0x5: {  	_ = 	snop  }
0x6: {  	_ = 	snop  }
0x7: {  	_ = 	snop  }
__scs_overlays_trampoline_lowered:
0x8: {  	[smem:$0x3FAC] =	sst s0  }
0x9: {  	[smem:$0x3FAD] =	sst s1  }
0xa: {  	[smem:$0x3FAE] =	sst s2  }
0xb: {  	[smem:$0x3FAF] =	sst s3  }
0xc: {  	[smem:$0x3FB0] =	sst s4  }
0xd: {  	[smem:$0x3FB1] =	sst s5  }
0xe: {  	[smem:$0x3FB2] =	sst s6  }
0xf: {  	[smem:$0x3FB3] =	sst s7  }
0x10: {  	[smem:$0x3FB4] =	sst s8  }
0x11: {  	[smem:$0x3FB5] =	sst s9;
	s0 =	simm.s32 @!p0 $0x0  }
0x12: {  	s1 =	sld [smem:$0x3F9B];
	s0 =	simm.s32 @p0 $0x1  }
0x13: {  	[smem:$0x3FB6] =	sst s0;
	s0 =	simm.s32 @!p1 $0x0  }
0x14: {  	s2 =	sld [smem:$0x3F9A];
	s0 =	simm.s32 @p1 $0x1  }
0x15: {  	[smem:$0x3FB7] =	sst s0;
	s0 =	simm.s32 @!p2 $0x0  }
0x16: {  	s3 =	sld [smem:$0x3FDB];
	s0 =	simm.s32 @p2 $0x1  }
0x17: {  	s4 =	simm.s32 $0x1BF5;
	[smem:$0x3FB9] =	sst s0  }
0x18: {  	s0 =	sld [smem:$0x3F9C];
	_ =	swait.ge [sflag:s4], $0x0  }
0x19: {  	s7 =	sld [smem:$0x3F9D]  }
0x1a: {  	s8 =	sadd.s32 $0xFFFFE003, lr  }
0x1b: {  	s9 =	sadd.s32 $0xFFFFFEF7, lr;
	s5 =	simm.s32 $0xFFFFFFFF;
	p2 =	slt.u32 s8, $0xFFFFF086  }
0x1c: {  	p1 =	slt.u32 s9, $0xF7A;
	s5 =	simm.s32 @!p2 $0x0  }
0x1d: {  	s5 =	simm.s32 @p1 $0x1;
	p0 =	seq.s32 s7, s2  }
0x1e: {  	s7 =	smul.u32 @!p0 $0xF7A, s2;
	p2 =	seq.s32 @!p0 s5, $0x0  }
0x1f: {  	s9 =	smul.u32 $0xF7A, s1;
	s8 =	simm.s32 @!p0 $0x1BF5;
	p2 =	por !p2, p0  }
0x20: {  	[sflag:s8] =	ssyncset.s32 @!p0 $0xFFFFF086;
	s6 =	sadd.s32 @!p0 s3, s7;
	s7 =	simm.s32 @!p0 $0x108  }
0x21: {  	s3 =	sadd.s32 s3, s9;
	s6 =	sadd.s32 @!p0 $0x88, s6;
	s7 =	simm.s32 @p2 $0x1082  }
0x22: {  	[simem:s7], [sflag:s8] =	dma.local @!p0 [hbm:s6], $0xF7A  }
0x23: {  	s9 =	sor.u32 $0xD0000000, s2;
	s6 =	simm.s32 $0x108;
	_ =	swait.ge @!p0 [sflag:s8], $0x0  }
0x24: {  	s3 =	sadd.s32 $0x88, s3;
	s6 =	simm.s32 @!p1 $0x1082;
	[sflag:s4] =	ssyncset.s32 $0xFFFFF086  }
0x25: {  	[simem:s6], [sflag:s4] =	dma.local [hbm:s3], $0xF7A  }
0x26: {  	[smem:$0x3F9D] =	sst s1;
	(tag) =	ssettag s2;
	_ =	strace s9  }
0x27: {  	s1 =	sld [smem:$0x3FAD]  }
0x28: {  	s2 =	sld [smem:$0x3FAE]  }
0x29: {  	s4 =	sld [smem:$0x3FB0]  }
0x2a: {  	p0 =	seq.s32 s5, $0x0;
	s5 =	sld [smem:$0x3FB1]  }
0x2b: {  	s6 =	sld [smem:$0x3FB2]  }
0x2c: {  	s7 =	sld [smem:$0x3FB3]  }
0x2d: {  	s3 =	simm.s32 $0x108;
	s8 =	sld [smem:$0x3FB4]  }
0x2e: {  	s3 =	simm.s32 @!p0 $0x1082;
	s9 =	sld [smem:$0x3FB5]  }
0x2f: {  	lr =	sadd.s32 s0, s3;
	s0 =	sld [smem:$0x3FAC]  }
0x30: {  	s3 =	sld [smem:$0x3FAF]  }
0x31: {  	[smem:$0x3FB8] =	sst s10  }
0x32: {  	s10 =	sld [smem:$0x3FB6];
	_ =	sdelay $0x3  }
0x33: {  	p0 =	seq.s32 s10, $0x1;
	s10 =	sld [smem:$0x3FB8];
	_ =	sdelay $0x3  }
0x34: {  	[smem:$0x3FB8] =	sst s10  }
0x35: {  	s10 =	sld [smem:$0x3FB7];
	_ =	sdelay $0x3  }
0x36: {  	p1 =	seq.s32 s10, $0x1;
	s10 =	sld [smem:$0x3FB8];
	_ =	sdelay $0x3  }
0x37: {  	[smem:$0x3FB8] =	sst s10  }
0x38: {  	s10 =	sld [smem:$0x3FB9]  }
0x39: {  	_ = 	snop;
	(pc) =	sbr.ind lr, $3  }
0x3a: {  	_ = 	snop  }
0x3b: {  	_ = 	snop  }
0x3c: {  	p2 =	seq.s32 s10, $0x1;
	s10 =	sld [smem:$0x3FB8]  }
0x3d: {  	_ =	shalt  }
0x3e: {  	_ =	shalt  }
0x3f: {  	_ =	shalt  }
0x40: {  	_ =	shalt  }
0x41: {  	_ =	shalt  }
0x42: {  	_ =	shalt  }
0x43: {  	_ =	shalt  }
0x44: {  	_ =	shalt  }
0x45: {  	_ =	shalt  }
0x46: {  	_ =	shalt  }
0x47: {  	_ =	shalt  }
0x48: {  	_ =	shalt  }
0x49: {  	_ =	shalt  }
0x4a: {  	_ =	shalt  }
0x4b: {  	_ =	shalt  }
0x4c: {  	_ =	shalt  }
0x4d: {  	_ =	shalt  }
0x4e: {  	_ =	shalt  }
0x4f: {  	_ =	shalt  }
0x50: {  	_ =	shalt  }
0x51: {  	_ =	shalt  }
0x52: {  	_ =	shalt  }
0x53: {  	_ =	shalt  }
0x54: {  	_ =	shalt  }
0x55: {  	_ =	shalt  }
0x56: {  	_ =	shalt  }
0x57: {  	_ =	shalt  }
0x58: {  	_ =	shalt  }
0x59: {  	_ =	shalt  }
0x5a: {  	_ =	shalt  }
0x5b: {  	_ =	shalt  }
0x5c: {  	_ =	shalt  }
0x5d: {  	_ =	shalt  }
0x5e: {  	_ =	shalt  }
0x5f: {  	_ =	shalt  }
0x60: {  	_ =	shalt  }
0x61: {  	_ =	shalt  }
0x62: {  	_ =	shalt  }
0x63: {  	_ =	shalt  }
0x64: {  	_ =	shalt  }
0x65: {  	_ =	shalt  }
0x66: {  	_ =	shalt  }
0x67: {  	_ =	shalt  }
0x68: {  	_ =	shalt  }
0x69: {  	_ =	shalt  }
0x6a: {  	_ =	shalt  }
0x6b: {  	_ =	shalt  }
0x6c: {  	_ =	shalt  }
0x6d: {  	_ =	shalt  }
0x6e: {  	_ =	shalt  }
0x6f: {  	_ =	shalt  }
0x70: {  	_ =	shalt  }
0x71: {  	_ =	shalt  }
0x72: {  	_ =	shalt  }
0x73: {  	_ =	shalt  }
0x74: {  	_ =	shalt  }
0x75: {  	_ =	shalt  }
0x76: {  	_ =	shalt  }
0x77: {  	_ =	shalt  }
0x78: {  	_ =	shalt  }
0x79: {  	_ =	shalt  }
0x7a: {  	_ =	shalt  }
0x7b: {  	_ =	shalt  }
0x7c: {  	_ =	shalt  }
0x7d: {  	_ =	shalt  }
0x7e: {  	_ =	shalt  }
0x7f: {  	_ =	shalt  }
0x80: {  	_ =	shalt  }
0x81: {  	_ =	shalt  }
0x82: {  	_ =	shalt  }
0x83: {  	_ =	shalt  }
0x84: {  	_ =	shalt  }
0x85: {  	_ =	shalt  }
0x86: {  	_ =	shalt  }
0x87: {  	_ =	shalt  }
.Lfunc_end0:
.L_simem_size_0:
called_computation_lowered:
.L_overlay_start_0:
0x88: {  	s2 =	sld [smem:$0x3FD9]  }
0x89: {  	s3 =	sld [smem:$0x3FFE];
	_ =	sdelay $0x1  }
0x8a: {  	s1 =	srdreg.scid  }
0x8b: {  	s0 =	sand.u32 $0x1, s1  }
0x8c: {  	s17 =	sshll.u32 s0, $0xA;
	s2 =	sadd.s32 s3, s2  }
0x8d: {  	s2 =	sadd.s32 s2, s17  }
0x8e: {  	[smem:$0x3FC4] =	sst s2  }
0x8f: {  	_ = 	snop  }
0x90: {  	s2 =	sld [smem:$0x3FD0];
	(tm) =	ssettm $0x1  }
0x91: {  	s18 =	sld [smem:$0x3FFB];
	_ =	sdelay $0x3  }
0x92: {  	_ =	strace s18  }
0x93: {  	s3 =	sld [smem:$0x3FFC];
	_ =	sdelay $0x3  }
0x94: {  	_ =	strace s3  }
0x95: {  	s3 =	sld [smem:$0x3FFD];
	_ =	sdelay $0x3  }
0x96: {  	_ =	strace s3  }
0x97: {  	_ =	strace $0x8FFFFFFF  }
0x98: {  	s19 =	sld [smem:$0x3FDB];
	_ =	sdelay $0x1  }
0x99: {  	s4 =	simm.s32 $_scs_section_size  }
0x9a: {  	s5 =	simm.s32 $_size__tile_overlayer_lowered;
	s6 =	simm.s32 $_tile_overlayer_lowered  }
0x9b: {  	s22 =	simm.s32 $0x1BFF;
	s21 =	sshll.u32 s6, $0x1;
	s3 =	sadd.s32 s4, s19  }
0x9c: {  	s7 =	simm.s32 $0x0;
	s20 =	sshll.u32 s5, $0x1;
	s5 =	sadd.s32 s21, s3  }
0x9d: {  	[timem:s7], [sflag:s22] =	dma.local [hbm:s5], s20  }
0x9e: {  	_ =	swait.ge [sflag:s22], s20  }
0x9f: {  	s4 =	ssub.s32 $0x0, s20;
	[sflag:s22] =	ssyncset.done $0x0  }
0xa0: {  	[sflag:s22] =	ssyncadd.s32 s4;
	_ =	sdelay $0x1  }
0xa1: {  	s23 =	simm.s32 $0x1B8B  }
0xa2: {  	_ =	swait.ge [sflag:s23], $0x1  }
0xa3: {  	[sflag:s23] =	ssyncset.done $0x0  }
0xa4: {  	s25 =	simm.s32 $0x1B8E;
	s24 =	sld [smem:$0x3FFE];
	[sflag:s23] =	ssyncadd.s32 $0xFFFFFFFF  }
0xa5: {  	s26 =	simm.s32 $execute0_lowered;
	[smem:$0x3FD2] =	sst s25  }
0xa6: {  	s5 =	sshll.u32 s26, $0x1;
	_ =	strace $0x80000046;
	[dreg:$0x1] =	wrdreg $0xFFFFFFFF  }
0xa7: {  	s28 =	simm.s32 $_size_execute0_lowered;
	s3 =	sadd.s32 s3, s5;
	[dreg:$0x0] =	wrdreg $0x0  }
0xa8: {  	s5 =	sshll.u32 s28, $0x1;
	[dreg:$0x2] =	wrdreg s3  }
0xa9: {  	[dreg:$0x3] =	wrdreg s5  }
0xaa: {  	[dreg:$0x4] =	wrdreg $0xC0  }
0xab: {  	_ =	task [dreg:s7], $0x5FFFF  }
0xac: {  	[dreg:$0x1] =	wrdreg $0xFFFFFFFF  }
0xad: {  	[dreg:$0x0] =	wrdreg $0x60  }
0xae: {  	[dreg:$0x2] =	wrdreg s24  }
0xaf: {  	[dreg:$0x3] =	wrdreg s2  }
0xb0: {  	[dreg:$0x4] =	wrdreg $0x2FD00  }
0xb1: {  	[dreg:$0x5] =	wrdreg $0x9  }
0xb2: {  	_ =	task.clear_ibuf [dreg:s7], $0x6FFFF;
	_ =	strace $0x90000046  }
0xb3: {  	s29 =	simm.s32 $0x9;
	_ =	strace $0x80000048  }
0xb4: {  	_ =	swait.ge [sflag:s29], $0x1  }
0xb5: {  	[sflag:s29] =	ssyncadd.s32 $0xFFFFFFFF  }
0xb6: {  	_ =	strace $0x90000048  }
0xb7: {  	_ =	sfence  }
0xb8: {  	s30 =	sld [smem:$0x0];
	_ =	sdelay $0x2  }
0xb9: {  	s31 =	sshll.u32 s1, $0xD;
	s1 =	sshrl.u32 s1, $0x2  }
0xba: {  	s3 =	sand.u32 $0x4000, s31;
	s1 =	sadd.s32 s1, s30  }
0xbb: {  	s0 =	sor.u32 s3, s0;
	s1 =	sshll.u32 s1, $0x11  }
0xbc: {  	s0 =	sor.u32 s1, s0  }
0xbd: {  	s0 =	sadd.s32 $0x8F2B, s0  }
0xbe: {  	[sflag:s0] =	ssyncadd.remote.s32 $0x1  }
0xbf: {  	_ =	sfence.sel $0xFFFF  }
0xc0: {  	[dreg:$0x0] =	wrdreg $0xFFFFFFFF;
	(pc) =	sbr.abs _section_cstart, $3  }
0xc1: {  	[dreg:$0x1] =	wrdreg $0xFFFFFFFF  }
0xc2: {  	_ =	task.clear_ibuf [dreg:s7], $0x2FFFF;
	_ =	strace $0x9FFFFFFF  }
0xc3: {  	(tm) =	ssettm $0x7FFFFFFF  }
tec
execute0_lowered:
.L_overlay_start_1:
0x0: {  	(tag) =	ssettag $0x1  }
0x1: {  	s4 =	rddreg [dreg:$0x0];
	s1 =	srdreg.scid  }
0x2: {  	s0 =	stileid.u32;
	s10 =	rddreg [dreg:$0x1]  }
0x3: {  	s2 =	rddreg [dreg:$0x2];
	s3 =	simm.s32 $0x0;
	s13 =	simm.s32 $0x2800  }
0x4: {  	s14 =	simm.s32 $0x7D;
	s17 =	simm.s32 $0x2;
	s18 =	simm.s32 $0x0  }
0x5: {  	s5 =	sand.u32 $0x1, s1;
	s1 =	rddreg [dreg:$0x3];
	s7 =	smul.u32 $0x9C40, s0  }
0x6: {  	s28 =	sshll.u32 s0, $0x1;
	[smem:$0x7FF] =	sst s3;
	s11 =	smul.u32 $0x1388, s0  }
0x7: {  	s15 =	sshll.u32 s0, $0x6;
	s6 =	sor.u32 s5, s28;
	_ =	strace $0x80000047  }
0x8: {  	s8 =	ssub.s32 $0x2, s5;
	s9 =	smul.u32 $0x13880, s5;
	s15 =	sor.u32 $0x1C01, s15  }
0x9: {  	s6 =	smul.u32 $0x2800, s6;
	s29 =	sshrl.u32 s8, $0x1;
	s30 =	sshrl.u32 s7, $0x2  }
0xa: {  	s12 =	ssub.s32 s8, s29;
	s5 =	sadd.s32 s30, s2;
	s31 =	sadd.s32 s11, s9  }
0xb: {  	s6 =	sshrl.u32 s6, $0x3;
	s7 =	sadd.s32 $0xFA0, s5;
	s11 =	sshrl.u32 s31, $0x3  }
0xc: {  	s8 =	sadd.s32 $0x1770, s5;
	s9 =	sadd.s32 $0x1F40, s5;
	s16 =	sshrl.u32 s5, $0x3  }
0xd: {  	v0 =	vimm.f32 $0.0e+00;
	vm0 =	vcmask $0x300;
	s4 =	sadd.s32 s4, s6;
	s6 =	sadd.s32 $0x7D0, s5;
	s10 =	sadd.s32 s10, s11  }
0xe: {  	v1 =	vsel vm0, $0x3F800000, v0;
	s11 =	smax.u32 s12, $0x1;
	s12 =	simm.s32 $0x1;
	s4 =	sadd.s32 $0xBA00, s4  }
.LBB2_1:
0xf: {  	[tilespmem:s3], [sflag:$0x1] =	stream.linear.gather [hbm4b:s4+s3], $0x2800, $0x38;
	[tilespmem:$0x56E0] =	vst v63  }
0x10: {  	_ =	swait.ge [sflag:s12], $0x2800  }
0x11: {  	[sflag:s12] =	ssyncset.done $0x0  }
0x12: {  	s19 =	simm.s32 $0x40;
	s20 =	simm.s32 $0x0;
	[sflag:s12] =	ssyncadd.s32 $0xFFFFD800  }
.LBB2_2:
0x13: {  	p0 =	sne.s32 s19, $0x1F00;
	[tilespmem:s20+$0x2800] =	vst v0;
	s20 =	smov.u32 s19;
	s19 =	sadd.s32 $0x40, s19  }
.Ltmp0:
0x14: {  	(pc) =	sbr.rel @p0 .LBB2_2-.Ltmp0, $2  }
0x15: {  	_ =	sdelay $0x2  }
0x16: {  	s20 =	sshra.s32 s20, $0x2  }
0x17: {  	[tilespmem:s20+$0x2800] =	vst v0  }
0x18: {  	[spmem:s5] =	stream.linear.scatter [tilespmem:s13], [sflag:$0x1], $0x7D0, $0x38;
	[tilespmem:$0x56E0] =	vst v63  }
0x19: {  	_ =	swait.ge [sflag:s12], $0x7D0  }
0x1a: {  	[sflag:s12] =	ssyncset.done $0x0  }
0x1b: {  	[sflag:s12] =	ssyncadd.s32 $0xFFFFF830  }
0x1c: {  	[spmem:s6] =	stream.linear.scatter [tilespmem:s13], [sflag:$0x1], $0x7D0, $0x38;
	[tilespmem:$0x56E0] =	vst v63  }
0x1d: {  	_ =	swait.ge [sflag:s12], $0x7D0  }
0x1e: {  	[sflag:s12] =	ssyncset.done $0x0  }
0x1f: {  	[sflag:s12] =	ssyncadd.s32 $0xFFFFF830  }
0x20: {  	[spmem:s7] =	stream.linear.scatter [tilespmem:s13], [sflag:$0x1], $0x7D0, $0x38;
	[tilespmem:$0x56E0] =	vst v63  }
0x21: {  	_ =	swait.ge [sflag:s12], $0x7D0  }
0x22: {  	[sflag:s12] =	ssyncset.done $0x0  }
0x23: {  	[sflag:s12] =	ssyncadd.s32 $0xFFFFF830  }
0x24: {  	[spmem:s8] =	stream.linear.scatter [tilespmem:s13], [sflag:$0x1], $0x7D0, $0x38;
	[tilespmem:$0x56E0] =	vst v63  }
0x25: {  	_ =	swait.ge [sflag:s12], $0x7D0  }
0x26: {  	[sflag:s12] =	ssyncset.done $0x0  }
0x27: {  	[sflag:s12] =	ssyncadd.s32 $0xFFFFF830  }
0x28: {  	[spmem:s9] =	stream.linear.scatter [tilespmem:s13], [sflag:$0x1], $0x7D0, $0x38;
	[tilespmem:$0x56E0] =	vst v63  }
0x29: {  	_ =	swait.ge [sflag:s12], $0x7D0  }
0x2a: {  	[sflag:s12] =	ssyncset.done $0x0  }
0x2b: {  	[sflag:s12] =	ssyncadd.s32 $0xFFFFF830  }
0x2c: {  	s19 =	simm.s32 $0x40;
	s20 =	simm.s32 $0x0;
	[bflag:$0x0] =	sbarrier.arrive $0xFFFF  }
.LBB2_4:
0x2d: {  	p0 =	sne.s32 s19, $0x1F00;
	[tilespmem:s20+$0x2800] =	vst v1;
	s20 =	smov.u32 s19;
	s19 =	sadd.s32 $0x40, s19  }
.Ltmp1:
0x2e: {  	(pc) =	sbr.rel @p0 .LBB2_4-.Ltmp1, $2  }
0x2f: {  	_ =	sdelay $0x2  }
0x30: {  	s20 =	sshra.s32 s20, $0x2  }
0x31: {  	[tilespmem:s20+$0x2800] =	vst v1;
	s19 =	simm.s32 $0x0  }
0x32: {  	[spmem:s2] =	stream.indirect.scatter.add.f32 [tilespmem:s13], [sflag:$0x1], $0x10, s19, s14, $0xb8;
	[tilespmem:$0x56E0] =	vst v63  }
0x33: {  	_ =	swait.ge [sflag:s12], $0x7D0  }
0x34: {  	s19 =	simm.s32 $0x200;
	[sflag:s12] =	ssyncset.done $0x0  }
.LBB2_6:
0x35: {  	s20 =	sshra.s32 s19, $0x2;
	[sflag:s12] =	ssyncadd.s32 $0xFFFFF830;
	p0 =	sne.s32 s19, $0x9E00  }
0x36: {  	[spmem:s2] =	stream.indirect.scatter.add.f32 [tilespmem:s13], [sflag:$0x1], $0x10, s20, s14, $0xb8;
	[tilespmem:$0x56E0] =	vst v63  }
.Ltmp2:
0x37: {  	_ = 	snop;
	(pc) =	sbr.rel @p0 .LBB2_6-.Ltmp2, $4  }
0x38: {  	_ = 	snop  }
0x39: {  	s19 =	sadd.s32 $0x200, s19  }
0x3a: {  	_ =	swait.ge [sflag:s12], $0x7D0  }
0x3b: {  	[sflag:s12] =	ssyncset.done $0x0  }
0x3c: {  	s18 =	sadd.s32 $0x1, s18  }
0x3d: {  	[sflag:s12] =	ssyncadd.s32 $0xFFFFF830;
	p0 =	sne.s32 s18, s11  }
.Ltmp3:
0x3e: {  	[bflag:$0x0] =	sbarrier.arrive $0xFFFF;
	(pc) =	sbr.rel @p0 .LBB2_1-.Ltmp3, $4  }
0x3f: {  	[hbm:s10@s12], [sflag:s15] =	dma.strided [spmem:s16@s17], $0x271, s12, $0x1   }
0x40: {  	_ =	swait.ge [sflag:s12], $0x271  }
0x41: {  	[sflag:s12] =	ssyncset.done $0x0  }
0x42: {  	[sflag:s12] =	ssyncadd.s32 $0xFFFFFD8F  }
0x43: {  	_ =	sfence.sel $0x180000  }
0x44: {  	[bflag:$0x0] =	sbarrier.arrive $0xFFFF  }
0x45: {  	p0 =	sne.s32 s0, $0x0;
	_ =	strace $0x90000047  }
0x46: {  	s0 =	sadd.s32 @!p0 $0x100000, s1;
	[bflag:$0x2] =	sbarrier.arrive $0xFFFF  }
0x47: {  	[sflag:s0] =	ssyncadd.tile.s32 @!p0 $0x1;
	_ =	shalt  }
.Lfunc_end2:
_tile_overlayer_lowered:
.L_overlay_start_2:
0x48: {  	(tag) =	ssettag $0x2  }
0x49: {  	s0 =	rddreg [dreg:$0x0];
	s2 =	stileid.u32  }
0x4a: {  	s1 =	rddreg [dreg:$0x1];
	p0 =	sne.s32 s2, $0x0  }
0x4b: {  	s3 =	rddreg [dreg:$0x2];
	[bflag:$0x3] =	sbarrier.arrive $0xFFFF;
	s2 =	simm.s32 @!p0 $0x1C01  }
0x4c: {  	[timem:s3], [sflag:s2] =	dma.local @!p0 [hbm:s0], s1  }
0x4d: {  	s0 =	simm.s32 @!p0 $0x1  }
0x4e: {  	_ =	swait.ge @!p0 [sflag:s0], s1  }
0x4f: {  	s1 =	ssub.s32 @!p0 $0x0, s1;
	[sflag:s0] =	ssyncset.done @!p0 $0x0  }
0x50: {  	[sflag:s0] =	ssyncadd.s32 @!p0 s1  }
0x51: {  	[bflag:$0x3] =	sbarrier.arrive $0xFFFF  }
0x52: {  	_ =	shalt  }

</sc_bundles>
